<compile_context>
chip_gen: v7x
topology: tpu7x:2x2x1
jax: 0.10.2.dev20260603
libtpu: 0.0.44.dev20260713+nightly
codegen_flags: <defaults>
</compile_context>

<pallas_src>
import functools

import jax
import jax.numpy as jnp
from jax import lax
from jax.experimental import pallas as pl
from jax.experimental.pallas import tpu as pltpu
from jax.experimental.pallas import tpu_sc as plsc

N = 10000
E = 320000
D = 128
H = 4
HD = 32

NC = 2
NS = 16
NW = NC * NS

CH = 128
NCHUNK = E // CH
ITERS = -(-NCHUNK // NW)

_sc_mesh = plsc.VectorSubcoreMesh(core_axis_name="c", subcore_axis_name="s")


def _zero_buf(buf, rows, cols):
    @pl.loop(0, rows)
    def _(e):
        for g in range(cols // 16):
            buf.at[pl.ds(e, 1), pl.ds(g * 16, 16)][...] = jnp.zeros(
                (1, 16), jnp.float32
            )


def _zero_acc(sid, msg_buf, acc):

    @pl.when(sid == 0)
    def _():
        @pl.loop(0, N // CH)
        def _(j):
            pltpu.sync_copy(msg_buf, acc.at[pl.ds(j * CH, CH)])

        rem = N - (N // CH) * CH
        if rem:
            pltpu.sync_copy(
                msg_buf.at[pl.ds(0, rem)], acc.at[pl.ds((N // CH) * CH, rem)]
            )


def _dump_acc(cid, sid, acc, part_hbm):
    per = 624

    @pl.when(sid < NS - 1)
    def _():
        pltpu.sync_copy(
            acc.at[pl.ds(sid * per, per)], part_hbm.at[cid, pl.ds(sid * per, per)]
        )

    @pl.when(sid == NS - 1)
    def _():
        pltpu.sync_copy(
            acc.at[pl.ds((NS - 1) * per, N - (NS - 1) * per)],
            part_hbm.at[cid, pl.ds((NS - 1) * per, N - (NS - 1) * per)],
        )


def _proj_body(nodes_ref, wi_ref, wj_ref, bi_ref, bj_ref, s_ref, r_ref):
    x = nodes_ref[...]
    s_ref[...] = (
        jnp.dot(x, wi_ref[...], preferred_element_type=jnp.float32) + bi_ref[...]
    )
    r_ref[...] = (
        jnp.dot(x, wj_ref[...], preferred_element_type=jnp.float32) + bj_ref[...]
    )


def _proj(nodes, wi2, wj2, bi2, bj2):
    bn = 2000
    return pl.pallas_call(
        _proj_body,
        grid=(N // bn,),
        in_specs=[
            pl.BlockSpec((bn, D), lambda i: (i, 0)),
            pl.BlockSpec((D, D), lambda i: (0, 0)),
            pl.BlockSpec((D, D), lambda i: (0, 0)),
            pl.BlockSpec((1, D), lambda i: (0, 0)),
            pl.BlockSpec((1, D), lambda i: (0, 0)),
        ],
        out_specs=[
            pl.BlockSpec((bn, D), lambda i: (i, 0)),
            pl.BlockSpec((bn, D), lambda i: (i, 0)),
        ],
        out_shape=[
            jax.ShapeDtypeStruct((N, D), jnp.float32),
            jax.ShapeDtypeStruct((N, D), jnp.float32),
        ],
    )(nodes, wi2, wj2, bi2, bj2)


@functools.partial(
    pl.kernel,
    mesh=_sc_mesh,
    out_type=jax.ShapeDtypeStruct((E, D), jnp.float32),
    scratch_types=[
        pltpu.VMEM((CH,), jnp.int32),
        pltpu.VMEM((CH,), jnp.int32),
        pltpu.VMEM((CH, D), jnp.float32),
        pltpu.VMEM((CH, D), jnp.float32),
        pltpu.SemaphoreType.DMA,
    ],
)
def _edges_x(s_hbm, r_hbm, send_hbm, recv_hbm, x_hbm, idx_s, idx_r, s_buf, r_buf, sem):
    wid = lax.axis_index("s") * NC + lax.axis_index("c")

    @pl.loop(0, ITERS)
    def _(i):
        c = wid + i * NW

        @pl.when(c < NCHUNK)
        def _():
            base = c * CH
            pltpu.sync_copy(send_hbm.at[pl.ds(base, CH)], idx_s)
            pltpu.sync_copy(recv_hbm.at[pl.ds(base, CH)], idx_r)
            cp1 = pltpu.async_copy(s_hbm.at[idx_s], s_buf, sem)
            cp2 = pltpu.async_copy(r_hbm.at[idx_r], r_buf, sem)
            cp1.wait()
            cp2.wait()

            @pl.loop(0, CH)
            def _(e):
                for g in range(D // 16):
                    slc = (pl.ds(e, 1), pl.ds(g * 16, 16))
                    s_buf.at[*slc][...] = s_buf.at[*slc][...] + r_buf.at[*slc][...]

            pltpu.sync_copy(s_buf, x_hbm.at[pl.ds(base, CH)])


def _logits_body(x_ref, m_ref, z_ref):
    x = x_ref[...]
    m = x * jnp.tanh(jax.nn.softplus(x))
    l16 = jnp.dot(m, m_ref[...], preferred_element_type=jnp.float32)
    mask = (lax.broadcasted_iota(jnp.int32, l16.shape, 1) < H).astype(jnp.float32)
    z_ref[...] = jnp.exp(l16) * mask


def _logits(x, m16):
    be = 2560
    return pl.pallas_call(
        _logits_body,
        grid=(E // be,),
        in_specs=[
            pl.BlockSpec((be, D), lambda i: (i, 0)),
            pl.BlockSpec((D, 16), lambda i: (0, 0)),
        ],
        out_specs=pl.BlockSpec((be, 16), lambda i: (i, 0)),
        out_shape=jax.ShapeDtypeStruct((E, 16), jnp.float32),
    )(x, m16)


@functools.partial(
    pl.kernel,
    mesh=_sc_mesh,
    out_type=jax.ShapeDtypeStruct((NC, N, D), jnp.float32),
    scratch_types=[
        pltpu.VMEM((CH,), jnp.int32),
        pltpu.VMEM((CH, 16), jnp.float32),
        pltpu.VMEM((CH, D), jnp.float32),
        pltpu.VMEM_SHARED((N, D), jnp.float32),
    ],
)
def _denoms(recv_hbm, z_hbm, part_hbm, idx_r, z_buf, msg_buf, acc):
    cid = lax.axis_index("c")
    sid = lax.axis_index("s")
    wid = sid * NC + cid

    _zero_buf(msg_buf, CH, D)
    _zero_acc(sid, msg_buf, acc)
    plsc.subcore_barrier()

    @pl.loop(0, ITERS)
    def _(i):
        c = wid + i * NW

        @pl.when(c < NCHUNK)
        def _():
            base = c * CH
            pltpu.sync_copy(recv_hbm.at[pl.ds(base, CH)], idx_r)
            pltpu.sync_copy(z_hbm.at[pl.ds(base, CH)], z_buf)

            @pl.loop(0, CH)
            def _(e):
                msg_buf.at[pl.ds(e, 1), pl.ds(0, 16)][...] = z_buf.at[
                    pl.ds(e, 1), pl.ds(0, 16)
                ][...]

            pltpu.sync_copy(msg_buf, acc.at[idx_r], add=True)

    plsc.subcore_barrier()
    _dump_acc(cid, sid, acc, part_hbm)


@functools.partial(
    pl.kernel,
    mesh=_sc_mesh,
    out_type=jax.ShapeDtypeStruct((NC, N, D), jnp.float32),
    scratch_types=[
        pltpu.VMEM((CH,), jnp.int32),
        pltpu.VMEM((CH,), jnp.int32),
        pltpu.VMEM((CH, D), jnp.float32),
        pltpu.VMEM((CH, 16), jnp.float32),
        pltpu.VMEM((CH, D), jnp.float32),
        pltpu.VMEM_SHARED((N, D), jnp.float32),
        pltpu.SemaphoreType.DMA,
    ],
)
def _numers(
    s_hbm, send_hbm, recv_hbm, z_hbm, part_hbm,
    idx_s, idx_r, s_buf, z_buf, msg_buf, acc, sem,
):
    cid = lax.axis_index("c")
    sid = lax.axis_index("s")
    wid = sid * NC + cid

    _zero_buf(msg_buf, CH, D)
    _zero_acc(sid, msg_buf, acc)
    plsc.subcore_barrier()

    @pl.loop(0, ITERS)
    def _(i):
        c = wid + i * NW

        @pl.when(c < NCHUNK)
        def _():
            base = c * CH
            pltpu.sync_copy(send_hbm.at[pl.ds(base, CH)], idx_s)
            pltpu.sync_copy(recv_hbm.at[pl.ds(base, CH)], idx_r)
            pltpu.sync_copy(z_hbm.at[pl.ds(base, CH)], z_buf)
            pltpu.async_copy(s_hbm.at[idx_s], s_buf, sem).wait()

            @pl.loop(0, CH)
            def _(e):
                zr = z_buf.at[pl.ds(e, 1), pl.ds(0, 16)][...]
                for h in range(H):
                    zv = jnp.broadcast_to(zr[0, h], (1, 16))
                    for g in range(2):
                        slc = (pl.ds(e, 1), pl.ds(h * HD + g * 16, 16))
                        msg_buf.at[*slc][...] = s_buf.at[*slc][...] * zv

            pltpu.sync_copy(msg_buf, acc.at[idx_r], add=True)

    plsc.subcore_barrier()
    _dump_acc(cid, sid, acc, part_hbm)


def _final_body(num_ref, den_ref, o_ref):
    nump = num_ref[...]
    num = nump[0] + nump[1]
    denp = den_ref[...]
    den4 = (denp[0] + denp[1])[:, :H]
    row = lax.broadcasted_iota(jnp.int32, (H, D), 0)
    col = lax.broadcasted_iota(jnp.int32, (H, D), 1)
    pat = (col // HD == row).astype(jnp.float32)
    dent = jnp.dot(den4, pat, preferred_element_type=jnp.float32)
    o_ref[...] = num / jnp.maximum(dent, 1e-37)


def _finalize(num_parts, den_parts):
    bn = 2000
    return pl.pallas_call(
        _final_body,
        grid=(N // bn,),
        in_specs=[
            pl.BlockSpec((NC, bn, D), lambda i: (0, i, 0)),
            pl.BlockSpec((NC, bn, D), lambda i: (0, i, 0)),
        ],
        out_specs=pl.BlockSpec((bn, D), lambda i: (i, 0)),
        out_shape=jax.ShapeDtypeStruct((N, D), jnp.float32),
    )(num_parts, den_parts)


def kernel(nodes, senders, receivers, Wi, bi, Wj, bj, Wa, ba):
    wi2 = Wi.reshape(D, H * HD)
    wj2 = Wj.reshape(D, H * HD)
    bi2 = bi.reshape(1, H * HD)
    bj2 = bj.reshape(1, H * HD)
    eye = jnp.eye(H, dtype=jnp.float32)
    m4 = (eye[:, None, :] * Wa[:, 0][None, :, None]).reshape(H * HD, H)
    m16 = jnp.pad(m4, ((0, 0), (0, 16 - H)))

    s, r = _proj(nodes, wi2, wj2, bi2, bj2)
    x = _edges_x(s, r, senders, receivers)
    z = _logits(x, m16)
    den_parts = _denoms(receivers, z)
    num_parts = _numers(s, senders, receivers, z)
    return _finalize(num_parts, den_parts)

# --- scband reference (transcript-rebuilt; emitter-appended) ---
"""Pipeline reference for scband-gatv2-conv-76570676953475 (READ-ONLY COPY).

The authoritative reference and input builder live on the scoring server;
editing this copy changes nothing except your own understanding.
"""

import jax, jax.numpy as jnp
import numpy as np

N = 10000
E = 320000
D = 128
H = 4
HD = 32  # embed_dim // num_heads


def mish(x):
    return x * jnp.tanh(jax.nn.softplus(x))


def setup_inputs(seed: int = 0) -> dict:
    key = jax.random.key(seed)
    ks = jax.random.split(key, 8)
    nodes = jax.random.normal(ks[0], (N, D), dtype=jnp.float32)
    senders = jax.random.randint(ks[1], (E,), 0, N, dtype=jnp.int32)
    receivers = jax.random.randint(ks[2], (E,), 0, N, dtype=jnp.int32)
    # DenseGeneral W_i: [D] -> [H, HD]
    Wi = jax.random.normal(ks[3], (D, H, HD), dtype=jnp.float32) / np.sqrt(D)
    bi = jnp.zeros((H, HD), dtype=jnp.float32)
    # DenseGeneral W_j: [D] -> [H, HD]
    Wj = jax.random.normal(ks[4], (D, H, HD), dtype=jnp.float32) / np.sqrt(D)
    bj = jnp.zeros((H, HD), dtype=jnp.float32)
    # attention logit Dense(1): [HD] -> [1]
    Wa = jax.random.normal(ks[5], (HD, 1), dtype=jnp.float32) / np.sqrt(HD)
    ba = jnp.zeros((1,), dtype=jnp.float32)
    return {"nodes": nodes, "senders": senders, "receivers": receivers,
            "Wi": Wi, "bi": bi, "Wj": Wj, "bj": bj, "Wa": Wa, "ba": ba}


def reference(nodes, senders, receivers, Wi, bi, Wj, bj, Wa, ba):
    # gather sender / receiver node features
    sent_attr = nodes[senders]          # [E, D]
    recv_attr = nodes[receivers]        # [E, D]
    # attention_query_fn: separate DenseGeneral for sender and receiver (GATv2)
    s = jnp.einsum('ed,dhk->ehk', sent_attr, Wi) + bi   # [E, H, HD]
    r = jnp.einsum('ed,dhk->ehk', recv_attr, Wj) + bj   # [E, H, HD]
    # attention_logit_fn: Dense(1)(mish(s + r))
    x = mish(s + r)
    logits = jnp.einsum('ehk,ko->eho', x, Wa) + ba       # [E, H, 1]
    # segment_softmax over receivers
    maxs = jax.ops.segment_max(logits, receivers, num_segments=N)
    z = jnp.exp(logits - maxs[receivers])
    denom = jax.ops.segment_sum(z, receivers, num_segments=N)
    weights = z / denom[receivers]                       # [E, H, 1]
    # aggregate messages
    messages = s * weights                               # [E, H, HD]
    out = jax.ops.segment_sum(messages, receivers, num_segments=N)  # [N, H, HD]
    # node_update_fn: concat heads
    return out.reshape(N, H * HD)

if __name__ == "__main__":
    import jax
    _d = setup_inputs()
    print(jax.jit(kernel)(*tuple(_d.values())))

</pallas_src>

<mosaic_0001>
#map = affine_map<(d0, d1) -> (0, 0)>
#map1 = affine_map<(d0, d1) -> (0)>
module attributes {stable_mosaic.version = 14 : i64} {
  func.func @_edges_x(%arg0: i32, %arg1: i32, %arg2: memref<10000x128xf32, #tpu.memory_space<hbm>>, %arg3: memref<10000x128xf32, #tpu.memory_space<hbm>>, %arg4: memref<320000xi32, #tpu.memory_space<hbm>>, %arg5: memref<320000xi32, #tpu.memory_space<hbm>>, %arg6: memref<320000x128xf32, #tpu.memory_space<hbm>>, %arg7: memref<128xi32, #tpu.memory_space<vmem>>, %arg8: memref<128xi32, #tpu.memory_space<vmem>>, %arg9: memref<128x128xf32, #tpu.memory_space<vmem>>, %arg10: memref<128x128xf32, #tpu.memory_space<vmem>>, %arg11: memref<!tpu.dma_semaphore, #tpu.memory_space<semaphore_mem>>) attributes {dimension_semantics = [#tpu.dimension_semantics<core_parallel>, #tpu.dimension_semantics<subcore_parallel>], iteration_bounds = array<i64: 2, 16>, scalar_prefetch = 0 : i64, scratch_operands = 5 : i64, tpu.core_type = #tpu.core_type<sc_vector_subcore>, window_params = [{transform_indices = #map}, {transform_indices = #map}, {transform_indices = #map1}, {transform_indices = #map1}, {transform_indices = #map}]} {
    %mul3A = arith.constant 2 : i32
    %mul3A_0 = arith.muli %arg1, %mul3A : i32
    %add3A = arith.addi %mul3A_0, %arg0 : i32
    %scan3A = arith.constant 0 : i32
    %scan3A_1 = arith.constant 79 : i32
    %scan3A_2 = arith.addi %scan3A, %scan3A_1 : i32
    %scan3A_3 = arith.constant 1 : i32
    scf.for %scan3A_5 = %scan3A to %scan3A_2 step %scan3A_3  : i32 {
      %mul3A_6 = arith.constant 1 : i32
      %mul3A_7 = arith.muli %scan3A_5, %mul3A_6 : i32
      %add3A_8 = arith.constant 0 : i32
      %add3A_9 = arith.addi %add3A_8, %mul3A_7 : i32
      %mul3A_10 = arith.constant 32 : i32
      %mul3A_11 = arith.muli %add3A_9, %mul3A_10 : i32
      %add3A_12 = arith.addi %add3A, %mul3A_11 : i32
      %lt3A = arith.constant 2500 : i32
      %lt3A_13 = arith.cmpi slt, %add3A_12, %lt3A : i32
      %convert_element_type3A = arith.extui %lt3A_13 : i1 to i32
      %cond3A = arith.constant 0 : i32
      %cond3A_14 = arith.cmpi ne, %convert_element_type3A, %cond3A : i32
      scf.if %cond3A_14 {
        %mul3A_15 = arith.constant 128 : i32
        %mul3A_16 = arith.muli %add3A_12, %mul3A_15 : i32
        "tpu.region"() ({
          %run_scoped3A = tpu.sem_alloc : memref<!tpu.dma_semaphore, #tpu.memory_space<semaphore_mem>>
          %dma_start3A_32 = tpu.memref_slice %arg4[%mul3A_16] : memref<320000xi32, #tpu.memory_space<hbm>> -> memref<128xi32, #tpu.memory_space<hbm>>
          %dma_start3A_33 = tpu.memref_slice %arg4[%mul3A_16] : memref<320000xi32, #tpu.memory_space<hbm>> -> memref<128xi32, #tpu.memory_space<hbm>>
          tpu.enqueue_dma source(%dma_start3A_33 : memref<128xi32, #tpu.memory_space<hbm>>) target(%arg7 : memref<128xi32, #tpu.memory_space<vmem>>) target_semaphore(%run_scoped3A : memref<!tpu.dma_semaphore, #tpu.memory_space<semaphore_mem>>)
          %dma_wait3A_34 = tpu.memref_slice %arg4[%mul3A_16] : memref<320000xi32, #tpu.memory_space<hbm>> -> memref<128xi32, #tpu.memory_space<hbm>>
          %dma_wait3A_35 = tpu.memref_slice %arg4[%mul3A_16] : memref<320000xi32, #tpu.memory_space<hbm>> -> memref<128xi32, #tpu.memory_space<hbm>>
          tpu.wait_dma2 semaphore(%run_scoped3A : memref<!tpu.dma_semaphore, #tpu.memory_space<semaphore_mem>>) src(%dma_wait3A_35 : memref<128xi32, #tpu.memory_space<hbm>>) dst(%arg7 : memref<128xi32, #tpu.memory_space<vmem>>)
          tpu.yield
        }) : () -> ()
        "tpu.region"() ({
          %run_scoped3A = tpu.sem_alloc : memref<!tpu.dma_semaphore, #tpu.memory_space<semaphore_mem>>
          %dma_start3A_32 = tpu.memref_slice %arg5[%mul3A_16] : memref<320000xi32, #tpu.memory_space<hbm>> -> memref<128xi32, #tpu.memory_space<hbm>>
          %dma_start3A_33 = tpu.memref_slice %arg5[%mul3A_16] : memref<320000xi32, #tpu.memory_space<hbm>> -> memref<128xi32, #tpu.memory_space<hbm>>
          tpu.enqueue_dma source(%dma_start3A_33 : memref<128xi32, #tpu.memory_space<hbm>>) target(%arg8 : memref<128xi32, #tpu.memory_space<vmem>>) target_semaphore(%run_scoped3A : memref<!tpu.dma_semaphore, #tpu.memory_space<semaphore_mem>>)
          %dma_wait3A_34 = tpu.memref_slice %arg5[%mul3A_16] : memref<320000xi32, #tpu.memory_space<hbm>> -> memref<128xi32, #tpu.memory_space<hbm>>
          %dma_wait3A_35 = tpu.memref_slice %arg5[%mul3A_16] : memref<320000xi32, #tpu.memory_space<hbm>> -> memref<128xi32, #tpu.memory_space<hbm>>
          tpu.wait_dma2 semaphore(%run_scoped3A : memref<!tpu.dma_semaphore, #tpu.memory_space<semaphore_mem>>) src(%dma_wait3A_35 : memref<128xi32, #tpu.memory_space<hbm>>) dst(%arg8 : memref<128xi32, #tpu.memory_space<vmem>>)
          tpu.yield
        }) : () -> ()
        %dma_start3A = arith.constant 0 : i32
        %dma_start3A_17 = arith.constant 0 : i32
        %dma_start3A_18 = tpu.memref_slice %arg2[%dma_start3A, %dma_start3A_17] : memref<10000x128xf32, #tpu.memory_space<hbm>> -> memref<10000x128xf32, #tpu.memory_space<hbm>>
        tpu.enqueue_indirect_dma source(%dma_start3A_18 : memref<10000x128xf32, #tpu.memory_space<hbm>>) target(%arg9 : memref<128x128xf32, #tpu.memory_space<vmem>>) offsets(%arg7 : memref<128xi32, #tpu.memory_space<vmem>>) semaphore(%arg11 : memref<!tpu.dma_semaphore, #tpu.memory_space<semaphore_mem>>)
        %dma_start3A_19 = arith.constant 0 : i32
        %dma_start3A_20 = arith.constant 0 : i32
        %dma_start3A_21 = tpu.memref_slice %arg3[%dma_start3A_19, %dma_start3A_20] : memref<10000x128xf32, #tpu.memory_space<hbm>> -> memref<10000x128xf32, #tpu.memory_space<hbm>>
        tpu.enqueue_indirect_dma source(%dma_start3A_21 : memref<10000x128xf32, #tpu.memory_space<hbm>>) target(%arg10 : memref<128x128xf32, #tpu.memory_space<vmem>>) offsets(%arg8 : memref<128xi32, #tpu.memory_space<vmem>>) semaphore(%arg11 : memref<!tpu.dma_semaphore, #tpu.memory_space<semaphore_mem>>)
        %dma_wait3A = arith.constant 0 : i32
        %dma_wait3A_22 = arith.constant 0 : i32
        %dma_wait3A_23 = tpu.memref_slice %arg2[%dma_wait3A, %dma_wait3A_22] : memref<10000x128xf32, #tpu.memory_space<hbm>> -> memref<10000x128xf32, #tpu.memory_space<hbm>>
        tpu.wait_indirect_dma semaphore(%arg11 : memref<!tpu.dma_semaphore, #tpu.memory_space<semaphore_mem>>) src(%dma_wait3A_23 : memref<10000x128xf32, #tpu.memory_space<hbm>>) dst(%arg9 : memref<128x128xf32, #tpu.memory_space<vmem>>)
        %dma_wait3A_24 = arith.constant 0 : i32
        %dma_wait3A_25 = arith.constant 0 : i32
        %dma_wait3A_26 = tpu.memref_slice %arg3[%dma_wait3A_24, %dma_wait3A_25] : memref<10000x128xf32, #tpu.memory_space<hbm>> -> memref<10000x128xf32, #tpu.memory_space<hbm>>
        tpu.wait_indirect_dma semaphore(%arg11 : memref<!tpu.dma_semaphore, #tpu.memory_space<semaphore_mem>>) src(%dma_wait3A_26 : memref<10000x128xf32, #tpu.memory_space<hbm>>) dst(%arg10 : memref<128x128xf32, #tpu.memory_space<vmem>>)
        %scan3A_27 = arith.constant 0 : i32
        %scan3A_28 = arith.constant 128 : i32
        %scan3A_29 = arith.addi %scan3A_27, %scan3A_28 : i32
        %scan3A_30 = arith.constant 1 : i32
        scf.for %scan3A_32 = %scan3A_27 to %scan3A_29 step %scan3A_30  : i32 {
          %mul3A_33 = arith.constant 1 : i32
          %mul3A_34 = arith.muli %scan3A_32, %mul3A_33 : i32
          %add3A_35 = arith.constant 0 : i32
          %add3A_36 = arith.addi %add3A_35, %mul3A_34 : i32
          %get3A = arith.index_cast %add3A_36 : i32 to index
          %get3A_37 = arith.constant 0 : index
          %get3A_38 = tpu.vector_load %arg9[%get3A, %get3A_37] {strides = array<i32>} : memref<128x128xf32, #tpu.memory_space<vmem>>, vector<1x16xf32>,
          %get3A_39 = vector.shape_cast %get3A_38 : vector<1x16xf32> to vector<1x16xf32>
          %get3A_40 = arith.index_cast %add3A_36 : i32 to index
          %get3A_41 = arith.constant 0 : index
          %get3A_42 = tpu.vector_load %arg10[%get3A_40, %get3A_41] {strides = array<i32>} : memref<128x128xf32, #tpu.memory_space<vmem>>, vector<1x16xf32>,
          %get3A_43 = vector.shape_cast %get3A_42 : vector<1x16xf32> to vector<1x16xf32>
          %add3A_44 = arith.addf %get3A_39, %get3A_43 : vector<1x16xf32>
          %swap3A = arith.index_cast %add3A_36 : i32 to index
          %swap3A_45 = arith.constant 0 : index
          %swap3A_46 = tpu.vector_load %arg9[%swap3A, %swap3A_45] {strides = array<i32>} : memref<128x128xf32, #tpu.memory_space<vmem>>, vector<1x16xf32>,
          %swap3A_47 = vector.shape_cast %swap3A_46 : vector<1x16xf32> to vector<1x16xf32>
          %swap3A_48 = vector.shape_cast %add3A_44 : vector<1x16xf32> to vector<1x16xf32>
          tpu.vector_store %arg9[%swap3A, %swap3A_45], %swap3A_48 {strides = array<i32>} : memref<128x128xf32, #tpu.memory_space<vmem>>, vector<1x16xf32>,
          %get3A_49 = arith.index_cast %add3A_36 : i32 to index
          %get3A_50 = arith.constant 16 : index
          %get3A_51 = tpu.vector_load %arg9[%get3A_49, %get3A_50] {strides = array<i32>} : memref<128x128xf32, #tpu.memory_space<vmem>>, vector<1x16xf32>,
          %get3A_52 = vector.shape_cast %get3A_51 : vector<1x16xf32> to vector<1x16xf32>
          %get3A_53 = arith.index_cast %add3A_36 : i32 to index
          %get3A_54 = arith.constant 16 : index
          %get3A_55 = tpu.vector_load %arg10[%get3A_53, %get3A_54] {strides = array<i32>} : memref<128x128xf32, #tpu.memory_space<vmem>>, vector<1x16xf32>,
          %get3A_56 = vector.shape_cast %get3A_55 : vector<1x16xf32> to vector<1x16xf32>
          %add3A_57 = arith.addf %get3A_52, %get3A_56 : vector<1x16xf32>
          %swap3A_58 = arith.index_cast %add3A_36 : i32 to index
          %swap3A_59 = arith.constant 16 : index
          %swap3A_60 = tpu.vector_load %arg9[%swap3A_58, %swap3A_59] {strides = array<i32>} : memref<128x128xf32, #tpu.memory_space<vmem>>, vector<1x16xf32>,
          %swap3A_61 = vector.shape_cast %swap3A_60 : vector<1x16xf32> to vector<1x16xf32>
          %swap3A_62 = vector.shape_cast %add3A_57 : vector<1x16xf32> to vector<1x16xf32>
          tpu.vector_store %arg9[%swap3A_58, %swap3A_59], %swap3A_62 {strides = array<i32>} : memref<128x128xf32, #tpu.memory_space<vmem>>, vector<1x16xf32>,
          %get3A_63 = arith.index_cast %add3A_36 : i32 to index
          %get3A_64 = arith.constant 32 : index
          %get3A_65 = tpu.vector_load %arg9[%get3A_63, %get3A_64] {strides = array<i32>} : memref<128x128xf32, #tpu.memory_space<vmem>>, vector<1x16xf32>,
          %get3A_66 = vector.shape_cast %get3A_65 : vector<1x16xf32> to vector<1x16xf32>
          %get3A_67 = arith.index_cast %add3A_36 : i32 to index
          %get3A_68 = arith.constant 32 : index
          %get3A_69 = tpu.vector_load %arg10[%get3A_67, %get3A_68] {strides = array<i32>} : memref<128x128xf32, #tpu.memory_space<vmem>>, vector<1x16xf32>,
          %get3A_70 = vector.shape_cast %get3A_69 : vector<1x16xf32> to vector<1x16xf32>
          %add3A_71 = arith.addf %get3A_66, %get3A_70 : vector<1x16xf32>
          %swap3A_72 = arith.index_cast %add3A_36 : i32 to index
          %swap3A_73 = arith.constant 32 : index
          %swap3A_74 = tpu.vector_load %arg9[%swap3A_72, %swap3A_73] {strides = array<i32>} : memref<128x128xf32, #tpu.memory_space<vmem>>, vector<1x16xf32>,
          %swap3A_75 = vector.shape_cast %swap3A_74 : vector<1x16xf32> to vector<1x16xf32>
          %swap3A_76 = vector.shape_cast %add3A_71 : vector<1x16xf32> to vector<1x16xf32>
          tpu.vector_store %arg9[%swap3A_72, %swap3A_73], %swap3A_76 {strides = array<i32>} : memref<128x128xf32, #tpu.memory_space<vmem>>, vector<1x16xf32>,
          %get3A_77 = arith.index_cast %add3A_36 : i32 to index
          %get3A_78 = arith.constant 48 : index
          %get3A_79 = tpu.vector_load %arg9[%get3A_77, %get3A_78] {strides = array<i32>} : memref<128x128xf32, #tpu.memory_space<vmem>>, vector<1x16xf32>,
          %get3A_80 = vector.shape_cast %get3A_79 : vector<1x16xf32> to vector<1x16xf32>
          %get3A_81 = arith.index_cast %add3A_36 : i32 to index
          %get3A_82 = arith.constant 48 : index
          %get3A_83 = tpu.vector_load %arg10[%get3A_81, %get3A_82] {strides = array<i32>} : memref<128x128xf32, #tpu.memory_space<vmem>>, vector<1x16xf32>,
          %get3A_84 = vector.shape_cast %get3A_83 : vector<1x16xf32> to vector<1x16xf32>
          %add3A_85 = arith.addf %get3A_80, %get3A_84 : vector<1x16xf32>
          %swap3A_86 = arith.index_cast %add3A_36 : i32 to index
          %swap3A_87 = arith.constant 48 : index
          %swap3A_88 = tpu.vector_load %arg9[%swap3A_86, %swap3A_87] {strides = array<i32>} : memref<128x128xf32, #tpu.memory_space<vmem>>, vector<1x16xf32>,
          %swap3A_89 = vector.shape_cast %swap3A_88 : vector<1x16xf32> to vector<1x16xf32>
          %swap3A_90 = vector.shape_cast %add3A_85 : vector<1x16xf32> to vector<1x16xf32>
          tpu.vector_store %arg9[%swap3A_86, %swap3A_87], %swap3A_90 {strides = array<i32>} : memref<128x128xf32, #tpu.memory_space<vmem>>, vector<1x16xf32>,
          %get3A_91 = arith.index_cast %add3A_36 : i32 to index
          %get3A_92 = arith.constant 64 : index
          %get3A_93 = tpu.vector_load %arg9[%get3A_91, %get3A_92] {strides = array<i32>} : memref<128x128xf32, #tpu.memory_space<vmem>>, vector<1x16xf32>,
          %get3A_94 = vector.shape_cast %get3A_93 : vector<1x16xf32> to vector<1x16xf32>
          %get3A_95 = arith.index_cast %add3A_36 : i32 to index
          %get3A_96 = arith.constant 64 : index
          %get3A_97 = tpu.vector_load %arg10[%get3A_95, %get3A_96] {strides = array<i32>} : memref<128x128xf32, #tpu.memory_space<vmem>>, vector<1x16xf32>,
          %get3A_98 = vector.shape_cast %get3A_97 : vector<1x16xf32> to vector<1x16xf32>
          %add3A_99 = arith.addf %get3A_94, %get3A_98 : vector<1x16xf32>
          %swap3A_100 = arith.index_cast %add3A_36 : i32 to index
          %swap3A_101 = arith.constant 64 : index
          %swap3A_102 = tpu.vector_load %arg9[%swap3A_100, %swap3A_101] {strides = array<i32>} : memref<128x128xf32, #tpu.memory_space<vmem>>, vector<1x16xf32>,
          %swap3A_103 = vector.shape_cast %swap3A_102 : vector<1x16xf32> to vector<1x16xf32>
          %swap3A_104 = vector.shape_cast %add3A_99 : vector<1x16xf32> to vector<1x16xf32>
          tpu.vector_store %arg9[%swap3A_100, %swap3A_101], %swap3A_104 {strides = array<i32>} : memref<128x128xf32, #tpu.memory_space<vmem>>, vector<1x16xf32>,
          %get3A_105 = arith.index_cast %add3A_36 : i32 to index
          %get3A_106 = arith.constant 80 : index
          %get3A_107 = tpu.vector_load %arg9[%get3A_105, %get3A_106] {strides = array<i32>} : memref<128x128xf32, #tpu.memory_space<vmem>>, vector<1x16xf32>,
          %get3A_108 = vector.shape_cast %get3A_107 : vector<1x16xf32> to vector<1x16xf32>
          %get3A_109 = arith.index_cast %add3A_36 : i32 to index
          %get3A_110 = arith.constant 80 : index
          %get3A_111 = tpu.vector_load %arg10[%get3A_109, %get3A_110] {strides = array<i32>} : memref<128x128xf32, #tpu.memory_space<vmem>>, vector<1x16xf32>,
          %get3A_112 = vector.shape_cast %get3A_111 : vector<1x16xf32> to vector<1x16xf32>
          %add3A_113 = arith.addf %get3A_108, %get3A_112 : vector<1x16xf32>
          %swap3A_114 = arith.index_cast %add3A_36 : i32 to index
          %swap3A_115 = arith.constant 80 : index
          %swap3A_116 = tpu.vector_load %arg9[%swap3A_114, %swap3A_115] {strides = array<i32>} : memref<128x128xf32, #tpu.memory_space<vmem>>, vector<1x16xf32>,
          %swap3A_117 = vector.shape_cast %swap3A_116 : vector<1x16xf32> to vector<1x16xf32>
          %swap3A_118 = vector.shape_cast %add3A_113 : vector<1x16xf32> to vector<1x16xf32>
          tpu.vector_store %arg9[%swap3A_114, %swap3A_115], %swap3A_118 {strides = array<i32>} : memref<128x128xf32, #tpu.memory_space<vmem>>, vector<1x16xf32>,
          %get3A_119 = arith.index_cast %add3A_36 : i32 to index
          %get3A_120 = arith.constant 96 : index
          %get3A_121 = tpu.vector_load %arg9[%get3A_119, %get3A_120] {strides = array<i32>} : memref<128x128xf32, #tpu.memory_space<vmem>>, vector<1x16xf32>,
          %get3A_122 = vector.shape_cast %get3A_121 : vector<1x16xf32> to vector<1x16xf32>
          %get3A_123 = arith.index_cast %add3A_36 : i32 to index
          %get3A_124 = arith.constant 96 : index
          %get3A_125 = tpu.vector_load %arg10[%get3A_123, %get3A_124] {strides = array<i32>} : memref<128x128xf32, #tpu.memory_space<vmem>>, vector<1x16xf32>,
          %get3A_126 = vector.shape_cast %get3A_125 : vector<1x16xf32> to vector<1x16xf32>
          %add3A_127 = arith.addf %get3A_122, %get3A_126 : vector<1x16xf32>
          %swap3A_128 = arith.index_cast %add3A_36 : i32 to index
          %swap3A_129 = arith.constant 96 : index
          %swap3A_130 = tpu.vector_load %arg9[%swap3A_128, %swap3A_129] {strides = array<i32>} : memref<128x128xf32, #tpu.memory_space<vmem>>, vector<1x16xf32>,
          %swap3A_131 = vector.shape_cast %swap3A_130 : vector<1x16xf32> to vector<1x16xf32>
          %swap3A_132 = vector.shape_cast %add3A_127 : vector<1x16xf32> to vector<1x16xf32>
          tpu.vector_store %arg9[%swap3A_128, %swap3A_129], %swap3A_132 {strides = array<i32>} : memref<128x128xf32, #tpu.memory_space<vmem>>, vector<1x16xf32>,
          %get3A_133 = arith.index_cast %add3A_36 : i32 to index
          %get3A_134 = arith.constant 112 : index
          %get3A_135 = tpu.vector_load %arg9[%get3A_133, %get3A_134] {strides = array<i32>} : memref<128x128xf32, #tpu.memory_space<vmem>>, vector<1x16xf32>,
          %get3A_136 = vector.shape_cast %get3A_135 : vector<1x16xf32> to vector<1x16xf32>
          %get3A_137 = arith.index_cast %add3A_36 : i32 to index
          %get3A_138 = arith.constant 112 : index
          %get3A_139 = tpu.vector_load %arg10[%get3A_137, %get3A_138] {strides = array<i32>} : memref<128x128xf32, #tpu.memory_space<vmem>>, vector<1x16xf32>,
          %get3A_140 = vector.shape_cast %get3A_139 : vector<1x16xf32> to vector<1x16xf32>
          %add3A_141 = arith.addf %get3A_136, %get3A_140 : vector<1x16xf32>
          %swap3A_142 = arith.index_cast %add3A_36 : i32 to index
          %swap3A_143 = arith.constant 112 : index
          %swap3A_144 = tpu.vector_load %arg9[%swap3A_142, %swap3A_143] {strides = array<i32>} : memref<128x128xf32, #tpu.memory_space<vmem>>, vector<1x16xf32>,
          %swap3A_145 = vector.shape_cast %swap3A_144 : vector<1x16xf32> to vector<1x16xf32>
          %swap3A_146 = vector.shape_cast %add3A_141 : vector<1x16xf32> to vector<1x16xf32>
          tpu.vector_store %arg9[%swap3A_142, %swap3A_143], %swap3A_146 {strides = array<i32>} : memref<128x128xf32, #tpu.memory_space<vmem>>, vector<1x16xf32>,
        }
        %scan3A_31 = arith.constant 128 : i32
        "tpu.region"() ({
          %run_scoped3A = tpu.sem_alloc : memref<!tpu.dma_semaphore, #tpu.memory_space<semaphore_mem>>
          %dma_start3A_32 = arith.constant 0 : i32
          %dma_start3A_33 = tpu.memref_slice %arg6[%mul3A_16, %dma_start3A_32] : memref<320000x128xf32, #tpu.memory_space<hbm>> -> memref<128x128xf32, #tpu.memory_space<hbm>>
          %dma_start3A_34 = arith.constant 0 : i32
          %dma_start3A_35 = tpu.memref_slice %arg6[%mul3A_16, %dma_start3A_34] : memref<320000x128xf32, #tpu.memory_space<hbm>> -> memref<128x128xf32, #tpu.memory_space<hbm>>
          tpu.enqueue_dma source(%arg9 : memref<128x128xf32, #tpu.memory_space<vmem>>) target(%dma_start3A_35 : memref<128x128xf32, #tpu.memory_space<hbm>>) target_semaphore(%run_scoped3A : memref<!tpu.dma_semaphore, #tpu.memory_space<semaphore_mem>>)
          %dma_wait3A_36 = arith.constant 0 : i32
          %dma_wait3A_37 = tpu.memref_slice %arg6[%mul3A_16, %dma_wait3A_36] : memref<320000x128xf32, #tpu.memory_space<hbm>> -> memref<128x128xf32, #tpu.memory_space<hbm>>
          %dma_wait3A_38 = arith.constant 0 : i32
          %dma_wait3A_39 = tpu.memref_slice %arg6[%mul3A_16, %dma_wait3A_38] : memref<320000x128xf32, #tpu.memory_space<hbm>> -> memref<128x128xf32, #tpu.memory_space<hbm>>
          tpu.wait_dma2 semaphore(%run_scoped3A : memref<!tpu.dma_semaphore, #tpu.memory_space<semaphore_mem>>) src(%arg9 : memref<128x128xf32, #tpu.memory_space<vmem>>) dst(%dma_wait3A_39 : memref<128x128xf32, #tpu.memory_space<hbm>>)
          tpu.yield
        }) : () -> ()
      } else {
      }
    }
    %scan3A_4 = arith.constant 79 : i32
    return
  }
}

#map = affine_map<(d0, d1) -> (0, 0)>
#map1 = affine_map<(d0, d1) -> (0)>
#map2 = affine_map<(d0, d1) -> (0, 0, 0)>
module attributes {stable_mosaic.version = 14 : i64} {
  func.func @_numers(%arg0: i32, %arg1: i32, %arg2: memref<10000x128xf32, #tpu.memory_space<hbm>>, %arg3: memref<320000xi32, #tpu.memory_space<hbm>>, %arg4: memref<320000xi32, #tpu.memory_space<hbm>>, %arg5: memref<320000x16xf32, #tpu.memory_space<hbm>>, %arg6: memref<2x10000x128xf32, #tpu.memory_space<hbm>>, %arg7: memref<128xi32, #tpu.memory_space<vmem>>, %arg8: memref<128xi32, #tpu.memory_space<vmem>>, %arg9: memref<128x128xf32, #tpu.memory_space<vmem>>, %arg10: memref<128x16xf32, #tpu.memory_space<vmem>>, %arg11: memref<128x128xf32, #tpu.memory_space<vmem>>, %arg12: memref<10000x128xf32, #tpu.memory_space<vmem_shared>>, %arg13: memref<!tpu.dma_semaphore, #tpu.memory_space<semaphore_mem>>) attributes {dimension_semantics = [#tpu.dimension_semantics<core_parallel>, #tpu.dimension_semantics<subcore_parallel>], iteration_bounds = array<i64: 2, 16>, scalar_prefetch = 0 : i64, scratch_operands = 7 : i64, tpu.core_type = #tpu.core_type<sc_vector_subcore>, window_params = [{transform_indices = #map}, {transform_indices = #map1}, {transform_indices = #map1}, {transform_indices = #map}, {transform_indices = #map2}]} {
    %mul3A = arith.constant 2 : i32
    %mul3A_0 = arith.muli %arg1, %mul3A : i32
    %add3A = arith.addi %mul3A_0, %arg0 : i32
    %scan3A = arith.constant 0 : i32
    %scan3A_1 = arith.constant 128 : i32
    %scan3A_2 = arith.addi %scan3A, %scan3A_1 : i32
    %scan3A_3 = arith.constant 1 : i32
    scf.for %scan3A_22 = %scan3A to %scan3A_2 step %scan3A_3  : i32 {
      %mul3A_23 = arith.constant 1 : i32
      %mul3A_24 = arith.muli %scan3A_22, %mul3A_23 : i32
      %add3A_25 = arith.constant 0 : i32
      %add3A_26 = arith.addi %add3A_25, %mul3A_24 : i32
      %broadcast_in_dim3A = arith.constant 0.000000e+00 : f32
      %broadcast_in_dim3A_27 = vector.broadcast %broadcast_in_dim3A : f32 to vector<1x16xf32>
      %swap3A = arith.index_cast %add3A_26 : i32 to index
      %swap3A_28 = arith.constant 0 : index
      %swap3A_29 = tpu.vector_load %arg11[%swap3A, %swap3A_28] {strides = array<i32>} : memref<128x128xf32, #tpu.memory_space<vmem>>, vector<1x16xf32>,
      %swap3A_30 = vector.shape_cast %swap3A_29 : vector<1x16xf32> to vector<1x16xf32>
      %swap3A_31 = vector.shape_cast %broadcast_in_dim3A_27 : vector<1x16xf32> to vector<1x16xf32>
      tpu.vector_store %arg11[%swap3A, %swap3A_28], %swap3A_31 {strides = array<i32>} : memref<128x128xf32, #tpu.memory_space<vmem>>, vector<1x16xf32>,
      %broadcast_in_dim3A_32 = arith.constant 0.000000e+00 : f32
      %broadcast_in_dim3A_33 = vector.broadcast %broadcast_in_dim3A_32 : f32 to vector<1x16xf32>
      %swap3A_34 = arith.index_cast %add3A_26 : i32 to index
      %swap3A_35 = arith.constant 16 : index
      %swap3A_36 = tpu.vector_load %arg11[%swap3A_34, %swap3A_35] {strides = array<i32>} : memref<128x128xf32, #tpu.memory_space<vmem>>, vector<1x16xf32>,
      %swap3A_37 = vector.shape_cast %swap3A_36 : vector<1x16xf32> to vector<1x16xf32>
      %swap3A_38 = vector.shape_cast %broadcast_in_dim3A_33 : vector<1x16xf32> to vector<1x16xf32>
      tpu.vector_store %arg11[%swap3A_34, %swap3A_35], %swap3A_38 {strides = array<i32>} : memref<128x128xf32, #tpu.memory_space<vmem>>, vector<1x16xf32>,
      %broadcast_in_dim3A_39 = arith.constant 0.000000e+00 : f32
      %broadcast_in_dim3A_40 = vector.broadcast %broadcast_in_dim3A_39 : f32 to vector<1x16xf32>
      %swap3A_41 = arith.index_cast %add3A_26 : i32 to index
      %swap3A_42 = arith.constant 32 : index
      %swap3A_43 = tpu.vector_load %arg11[%swap3A_41, %swap3A_42] {strides = array<i32>} : memref<128x128xf32, #tpu.memory_space<vmem>>, vector<1x16xf32>,
      %swap3A_44 = vector.shape_cast %swap3A_43 : vector<1x16xf32> to vector<1x16xf32>
      %swap3A_45 = vector.shape_cast %broadcast_in_dim3A_40 : vector<1x16xf32> to vector<1x16xf32>
      tpu.vector_store %arg11[%swap3A_41, %swap3A_42], %swap3A_45 {strides = array<i32>} : memref<128x128xf32, #tpu.memory_space<vmem>>, vector<1x16xf32>,
      %broadcast_in_dim3A_46 = arith.constant 0.000000e+00 : f32
      %broadcast_in_dim3A_47 = vector.broadcast %broadcast_in_dim3A_46 : f32 to vector<1x16xf32>
      %swap3A_48 = arith.index_cast %add3A_26 : i32 to index
      %swap3A_49 = arith.constant 48 : index
      %swap3A_50 = tpu.vector_load %arg11[%swap3A_48, %swap3A_49] {strides = array<i32>} : memref<128x128xf32, #tpu.memory_space<vmem>>, vector<1x16xf32>,
      %swap3A_51 = vector.shape_cast %swap3A_50 : vector<1x16xf32> to vector<1x16xf32>
      %swap3A_52 = vector.shape_cast %broadcast_in_dim3A_47 : vector<1x16xf32> to vector<1x16xf32>
      tpu.vector_store %arg11[%swap3A_48, %swap3A_49], %swap3A_52 {strides = array<i32>} : memref<128x128xf32, #tpu.memory_space<vmem>>, vector<1x16xf32>,
      %broadcast_in_dim3A_53 = arith.constant 0.000000e+00 : f32
      %broadcast_in_dim3A_54 = vector.broadcast %broadcast_in_dim3A_53 : f32 to vector<1x16xf32>
      %swap3A_55 = arith.index_cast %add3A_26 : i32 to index
      %swap3A_56 = arith.constant 64 : index
      %swap3A_57 = tpu.vector_load %arg11[%swap3A_55, %swap3A_56] {strides = array<i32>} : memref<128x128xf32, #tpu.memory_space<vmem>>, vector<1x16xf32>,
      %swap3A_58 = vector.shape_cast %swap3A_57 : vector<1x16xf32> to vector<1x16xf32>
      %swap3A_59 = vector.shape_cast %broadcast_in_dim3A_54 : vector<1x16xf32> to vector<1x16xf32>
      tpu.vector_store %arg11[%swap3A_55, %swap3A_56], %swap3A_59 {strides = array<i32>} : memref<128x128xf32, #tpu.memory_space<vmem>>, vector<1x16xf32>,
      %broadcast_in_dim3A_60 = arith.constant 0.000000e+00 : f32
      %broadcast_in_dim3A_61 = vector.broadcast %broadcast_in_dim3A_60 : f32 to vector<1x16xf32>
      %swap3A_62 = arith.index_cast %add3A_26 : i32 to index
      %swap3A_63 = arith.constant 80 : index
      %swap3A_64 = tpu.vector_load %arg11[%swap3A_62, %swap3A_63] {strides = array<i32>} : memref<128x128xf32, #tpu.memory_space<vmem>>, vector<1x16xf32>,
      %swap3A_65 = vector.shape_cast %swap3A_64 : vector<1x16xf32> to vector<1x16xf32>
      %swap3A_66 = vector.shape_cast %broadcast_in_dim3A_61 : vector<1x16xf32> to vector<1x16xf32>
      tpu.vector_store %arg11[%swap3A_62, %swap3A_63], %swap3A_66 {strides = array<i32>} : memref<128x128xf32, #tpu.memory_space<vmem>>, vector<1x16xf32>,
      %broadcast_in_dim3A_67 = arith.constant 0.000000e+00 : f32
      %broadcast_in_dim3A_68 = vector.broadcast %broadcast_in_dim3A_67 : f32 to vector<1x16xf32>
      %swap3A_69 = arith.index_cast %add3A_26 : i32 to index
      %swap3A_70 = arith.constant 96 : index
      %swap3A_71 = tpu.vector_load %arg11[%swap3A_69, %swap3A_70] {strides = array<i32>} : memref<128x128xf32, #tpu.memory_space<vmem>>, vector<1x16xf32>,
      %swap3A_72 = vector.shape_cast %swap3A_71 : vector<1x16xf32> to vector<1x16xf32>
      %swap3A_73 = vector.shape_cast %broadcast_in_dim3A_68 : vector<1x16xf32> to vector<1x16xf32>
      tpu.vector_store %arg11[%swap3A_69, %swap3A_70], %swap3A_73 {strides = array<i32>} : memref<128x128xf32, #tpu.memory_space<vmem>>, vector<1x16xf32>,
      %broadcast_in_dim3A_74 = arith.constant 0.000000e+00 : f32
      %broadcast_in_dim3A_75 = vector.broadcast %broadcast_in_dim3A_74 : f32 to vector<1x16xf32>
      %swap3A_76 = arith.index_cast %add3A_26 : i32 to index
      %swap3A_77 = arith.constant 112 : index
      %swap3A_78 = tpu.vector_load %arg11[%swap3A_76, %swap3A_77] {strides = array<i32>} : memref<128x128xf32, #tpu.memory_space<vmem>>, vector<1x16xf32>,
      %swap3A_79 = vector.shape_cast %swap3A_78 : vector<1x16xf32> to vector<1x16xf32>
      %swap3A_80 = vector.shape_cast %broadcast_in_dim3A_75 : vector<1x16xf32> to vector<1x16xf32>
      tpu.vector_store %arg11[%swap3A_76, %swap3A_77], %swap3A_80 {strides = array<i32>} : memref<128x128xf32, #tpu.memory_space<vmem>>, vector<1x16xf32>,
    }
    %scan3A_4 = arith.constant 128 : i32
    %eq3A = arith.constant 0 : i32
    %eq3A_5 = arith.cmpi eq, %arg1, %eq3A : i32
    %convert_element_type3A = arith.extui %eq3A_5 : i1 to i32
    %cond3A = arith.constant 0 : i32
    %cond3A_6 = arith.cmpi ne, %convert_element_type3A, %cond3A : i32
    scf.if %cond3A_6 {
      %scan3A_22 = arith.constant 0 : i32
      %scan3A_23 = arith.constant 78 : i32
      %scan3A_24 = arith.addi %scan3A_22, %scan3A_23 : i32
      %scan3A_25 = arith.constant 1 : i32
      scf.for %scan3A_27 = %scan3A_22 to %scan3A_24 step %scan3A_25  : i32 {
        %mul3A_28 = arith.constant 1 : i32
        %mul3A_29 = arith.muli %scan3A_27, %mul3A_28 : i32
        %add3A_30 = arith.constant 0 : i32
        %add3A_31 = arith.addi %add3A_30, %mul3A_29 : i32
        %mul3A_32 = arith.constant 128 : i32
        %mul3A_33 = arith.muli %add3A_31, %mul3A_32 : i32
        "tpu.region"() ({
          %run_scoped3A = tpu.sem_alloc : memref<!tpu.dma_semaphore, #tpu.memory_space<semaphore_mem>>
          %dma_start3A = arith.constant 0 : i32
          %dma_start3A_34 = tpu.memref_slice %arg12[%mul3A_33, %dma_start3A] : memref<10000x128xf32, #tpu.memory_space<vmem_shared>> -> memref<128x128xf32, #tpu.memory_space<vmem_shared>>
          %dma_start3A_35 = arith.constant 0 : i32
          %dma_start3A_36 = tpu.memref_slice %arg12[%mul3A_33, %dma_start3A_35] : memref<10000x128xf32, #tpu.memory_space<vmem_shared>> -> memref<128x128xf32, #tpu.memory_space<vmem_shared>>
          tpu.enqueue_dma source(%arg11 : memref<128x128xf32, #tpu.memory_space<vmem>>) target(%dma_start3A_36 : memref<128x128xf32, #tpu.memory_space<vmem_shared>>) target_semaphore(%run_scoped3A : memref<!tpu.dma_semaphore, #tpu.memory_space<semaphore_mem>>)
          %dma_wait3A = arith.constant 0 : i32
          %dma_wait3A_37 = tpu.memref_slice %arg12[%mul3A_33, %dma_wait3A] : memref<10000x128xf32, #tpu.memory_space<vmem_shared>> -> memref<128x128xf32, #tpu.memory_space<vmem_shared>>
          %dma_wait3A_38 = arith.constant 0 : i32
          %dma_wait3A_39 = tpu.memref_slice %arg12[%mul3A_33, %dma_wait3A_38] : memref<10000x128xf32, #tpu.memory_space<vmem_shared>> -> memref<128x128xf32, #tpu.memory_space<vmem_shared>>
          tpu.wait_dma2 semaphore(%run_scoped3A : memref<!tpu.dma_semaphore, #tpu.memory_space<semaphore_mem>>) src(%arg11 : memref<128x128xf32, #tpu.memory_space<vmem>>) dst(%dma_wait3A_39 : memref<128x128xf32, #tpu.memory_space<vmem_shared>>)
          tpu.yield
        }) : () -> ()
      }
      %scan3A_26 = arith.constant 78 : i32
      "tpu.region"() ({
        %run_scoped3A = tpu.sem_alloc : memref<!tpu.dma_semaphore, #tpu.memory_space<semaphore_mem>>
        %dma_start3A = arith.constant 0 : i32
        %dma_start3A_27 = arith.constant 0 : i32
        %dma_start3A_28 = tpu.memref_slice %arg11[%dma_start3A, %dma_start3A_27] : memref<128x128xf32, #tpu.memory_space<vmem>> -> memref<16x128xf32, #tpu.memory_space<vmem>>
        %dma_start3A_29 = arith.constant 9984 : i32
        %dma_start3A_30 = arith.constant 0 : i32
        %dma_start3A_31 = tpu.memref_slice %arg12[%dma_start3A_29, %dma_start3A_30] : memref<10000x128xf32, #tpu.memory_space<vmem_shared>> -> memref<16x128xf32, #tpu.memory_space<vmem_shared>>
        %dma_start3A_32 = arith.constant 9984 : i32
        %dma_start3A_33 = arith.constant 0 : i32
        %dma_start3A_34 = tpu.memref_slice %arg12[%dma_start3A_32, %dma_start3A_33] : memref<10000x128xf32, #tpu.memory_space<vmem_shared>> -> memref<16x128xf32, #tpu.memory_space<vmem_shared>>
        %dma_start3A_35 = arith.constant 0 : i32
        %dma_start3A_36 = arith.constant 0 : i32
        %dma_start3A_37 = tpu.memref_slice %arg11[%dma_start3A_35, %dma_start3A_36] : memref<128x128xf32, #tpu.memory_space<vmem>> -> memref<16x128xf32, #tpu.memory_space<vmem>>
        tpu.enqueue_dma source(%dma_start3A_37 : memref<16x128xf32, #tpu.memory_space<vmem>>) target(%dma_start3A_34 : memref<16x128xf32, #tpu.memory_space<vmem_shared>>) target_semaphore(%run_scoped3A : memref<!tpu.dma_semaphore, #tpu.memory_space<semaphore_mem>>)
        %dma_wait3A = arith.constant 0 : i32
        %dma_wait3A_38 = arith.constant 0 : i32
        %dma_wait3A_39 = tpu.memref_slice %arg11[%dma_wait3A, %dma_wait3A_38] : memref<128x128xf32, #tpu.memory_space<vmem>> -> memref<16x128xf32, #tpu.memory_space<vmem>>
        %dma_wait3A_40 = arith.constant 9984 : i32
        %dma_wait3A_41 = arith.constant 0 : i32
        %dma_wait3A_42 = tpu.memref_slice %arg12[%dma_wait3A_40, %dma_wait3A_41] : memref<10000x128xf32, #tpu.memory_space<vmem_shared>> -> memref<16x128xf32, #tpu.memory_space<vmem_shared>>
        %dma_wait3A_43 = arith.constant 9984 : i32
        %dma_wait3A_44 = arith.constant 0 : i32
        %dma_wait3A_45 = tpu.memref_slice %arg12[%dma_wait3A_43, %dma_wait3A_44] : memref<10000x128xf32, #tpu.memory_space<vmem_shared>> -> memref<16x128xf32, #tpu.memory_space<vmem_shared>>
        %dma_wait3A_46 = arith.constant 0 : i32
        %dma_wait3A_47 = arith.constant 0 : i32
        %dma_wait3A_48 = tpu.memref_slice %arg11[%dma_wait3A_46, %dma_wait3A_47] : memref<128x128xf32, #tpu.memory_space<vmem>> -> memref<16x128xf32, #tpu.memory_space<vmem>>
        tpu.wait_dma2 semaphore(%run_scoped3A : memref<!tpu.dma_semaphore, #tpu.memory_space<semaphore_mem>>) src(%dma_wait3A_48 : memref<16x128xf32, #tpu.memory_space<vmem>>) dst(%dma_wait3A_45 : memref<16x128xf32, #tpu.memory_space<vmem_shared>>)
        tpu.yield
      }) : () -> ()
    } else {
    }
    %barrier3A = arith.constant 0 : index
    tpu.barrier barrier_id(%barrier3A)
    %scan3A_7 = arith.constant 0 : i32
    %scan3A_8 = arith.constant 79 : i32
    %scan3A_9 = arith.addi %scan3A_7, %scan3A_8 : i32
    %scan3A_10 = arith.constant 1 : i32
    scf.for %scan3A_22 = %scan3A_7 to %scan3A_9 step %scan3A_10  : i32 {
      %mul3A_23 = arith.constant 1 : i32
      %mul3A_24 = arith.muli %scan3A_22, %mul3A_23 : i32
      %add3A_25 = arith.constant 0 : i32
      %add3A_26 = arith.addi %add3A_25, %mul3A_24 : i32
      %mul3A_27 = arith.constant 32 : i32
      %mul3A_28 = arith.muli %add3A_26, %mul3A_27 : i32
      %add3A_29 = arith.addi %add3A, %mul3A_28 : i32
      %lt3A_30 = arith.constant 2500 : i32
      %lt3A_31 = arith.cmpi slt, %add3A_29, %lt3A_30 : i32
      %convert_element_type3A_32 = arith.extui %lt3A_31 : i1 to i32
      %cond3A_33 = arith.constant 0 : i32
      %cond3A_34 = arith.cmpi ne, %convert_element_type3A_32, %cond3A_33 : i32
      scf.if %cond3A_34 {
        %mul3A_35 = arith.constant 128 : i32
        %mul3A_36 = arith.muli %add3A_29, %mul3A_35 : i32
        "tpu.region"() ({
          %run_scoped3A = tpu.sem_alloc : memref<!tpu.dma_semaphore, #tpu.memory_space<semaphore_mem>>
          %dma_start3A_46 = tpu.memref_slice %arg3[%mul3A_36] : memref<320000xi32, #tpu.memory_space<hbm>> -> memref<128xi32, #tpu.memory_space<hbm>>
          %dma_start3A_47 = tpu.memref_slice %arg3[%mul3A_36] : memref<320000xi32, #tpu.memory_space<hbm>> -> memref<128xi32, #tpu.memory_space<hbm>>
          tpu.enqueue_dma source(%dma_start3A_47 : memref<128xi32, #tpu.memory_space<hbm>>) target(%arg7 : memref<128xi32, #tpu.memory_space<vmem>>) target_semaphore(%run_scoped3A : memref<!tpu.dma_semaphore, #tpu.memory_space<semaphore_mem>>)
          %dma_wait3A_48 = tpu.memref_slice %arg3[%mul3A_36] : memref<320000xi32, #tpu.memory_space<hbm>> -> memref<128xi32, #tpu.memory_space<hbm>>
          %dma_wait3A_49 = tpu.memref_slice %arg3[%mul3A_36] : memref<320000xi32, #tpu.memory_space<hbm>> -> memref<128xi32, #tpu.memory_space<hbm>>
          tpu.wait_dma2 semaphore(%run_scoped3A : memref<!tpu.dma_semaphore, #tpu.memory_space<semaphore_mem>>) src(%dma_wait3A_49 : memref<128xi32, #tpu.memory_space<hbm>>) dst(%arg7 : memref<128xi32, #tpu.memory_space<vmem>>)
          tpu.yield
        }) : () -> ()
        "tpu.region"() ({
          %run_scoped3A = tpu.sem_alloc : memref<!tpu.dma_semaphore, #tpu.memory_space<semaphore_mem>>
          %dma_start3A_46 = tpu.memref_slice %arg4[%mul3A_36] : memref<320000xi32, #tpu.memory_space<hbm>> -> memref<128xi32, #tpu.memory_space<hbm>>
          %dma_start3A_47 = tpu.memref_slice %arg4[%mul3A_36] : memref<320000xi32, #tpu.memory_space<hbm>> -> memref<128xi32, #tpu.memory_space<hbm>>
          tpu.enqueue_dma source(%dma_start3A_47 : memref<128xi32, #tpu.memory_space<hbm>>) target(%arg8 : memref<128xi32, #tpu.memory_space<vmem>>) target_semaphore(%run_scoped3A : memref<!tpu.dma_semaphore, #tpu.memory_space<semaphore_mem>>)
          %dma_wait3A_48 = tpu.memref_slice %arg4[%mul3A_36] : memref<320000xi32, #tpu.memory_space<hbm>> -> memref<128xi32, #tpu.memory_space<hbm>>
          %dma_wait3A_49 = tpu.memref_slice %arg4[%mul3A_36] : memref<320000xi32, #tpu.memory_space<hbm>> -> memref<128xi32, #tpu.memory_space<hbm>>
          tpu.wait_dma2 semaphore(%run_scoped3A : memref<!tpu.dma_semaphore, #tpu.memory_space<semaphore_mem>>) src(%dma_wait3A_49 : memref<128xi32, #tpu.memory_space<hbm>>) dst(%arg8 : memref<128xi32, #tpu.memory_space<vmem>>)
          tpu.yield
        }) : () -> ()
        "tpu.region"() ({
          %run_scoped3A = tpu.sem_alloc : memref<!tpu.dma_semaphore, #tpu.memory_space<semaphore_mem>>
          %dma_start3A_46 = arith.constant 0 : i32
          %dma_start3A_47 = tpu.memref_slice %arg5[%mul3A_36, %dma_start3A_46] : memref<320000x16xf32, #tpu.memory_space<hbm>> -> memref<128x16xf32, #tpu.memory_space<hbm>>
          %dma_start3A_48 = arith.constant 0 : i32
          %dma_start3A_49 = tpu.memref_slice %arg5[%mul3A_36, %dma_start3A_48] : memref<320000x16xf32, #tpu.memory_space<hbm>> -> memref<128x16xf32, #tpu.memory_space<hbm>>
          tpu.enqueue_dma source(%dma_start3A_49 : memref<128x16xf32, #tpu.memory_space<hbm>>) target(%arg10 : memref<128x16xf32, #tpu.memory_space<vmem>>) target_semaphore(%run_scoped3A : memref<!tpu.dma_semaphore, #tpu.memory_space<semaphore_mem>>)
          %dma_wait3A_50 = arith.constant 0 : i32
          %dma_wait3A_51 = tpu.memref_slice %arg5[%mul3A_36, %dma_wait3A_50] : memref<320000x16xf32, #tpu.memory_space<hbm>> -> memref<128x16xf32, #tpu.memory_space<hbm>>
          %dma_wait3A_52 = arith.constant 0 : i32
          %dma_wait3A_53 = tpu.memref_slice %arg5[%mul3A_36, %dma_wait3A_52] : memref<320000x16xf32, #tpu.memory_space<hbm>> -> memref<128x16xf32, #tpu.memory_space<hbm>>
          tpu.wait_dma2 semaphore(%run_scoped3A : memref<!tpu.dma_semaphore, #tpu.memory_space<semaphore_mem>>) src(%dma_wait3A_53 : memref<128x16xf32, #tpu.memory_space<hbm>>) dst(%arg10 : memref<128x16xf32, #tpu.memory_space<vmem>>)
          tpu.yield
        }) : () -> ()
        %dma_start3A = arith.constant 0 : i32
        %dma_start3A_37 = arith.constant 0 : i32
        %dma_start3A_38 = tpu.memref_slice %arg2[%dma_start3A, %dma_start3A_37] : memref<10000x128xf32, #tpu.memory_space<hbm>> -> memref<10000x128xf32, #tpu.memory_space<hbm>>
        tpu.enqueue_indirect_dma source(%dma_start3A_38 : memref<10000x128xf32, #tpu.memory_space<hbm>>) target(%arg9 : memref<128x128xf32, #tpu.memory_space<vmem>>) offsets(%arg7 : memref<128xi32, #tpu.memory_space<vmem>>) semaphore(%arg13 : memref<!tpu.dma_semaphore, #tpu.memory_space<semaphore_mem>>)
        %dma_wait3A = arith.constant 0 : i32
        %dma_wait3A_39 = arith.constant 0 : i32
        %dma_wait3A_40 = tpu.memref_slice %arg2[%dma_wait3A, %dma_wait3A_39] : memref<10000x128xf32, #tpu.memory_space<hbm>> -> memref<10000x128xf32, #tpu.memory_space<hbm>>
        tpu.wait_indirect_dma semaphore(%arg13 : memref<!tpu.dma_semaphore, #tpu.memory_space<semaphore_mem>>) src(%dma_wait3A_40 : memref<10000x128xf32, #tpu.memory_space<hbm>>) dst(%arg9 : memref<128x128xf32, #tpu.memory_space<vmem>>)
        %scan3A_41 = arith.constant 0 : i32
        %scan3A_42 = arith.constant 128 : i32
        %scan3A_43 = arith.addi %scan3A_41, %scan3A_42 : i32
        %scan3A_44 = arith.constant 1 : i32
        scf.for %scan3A_46 = %scan3A_41 to %scan3A_43 step %scan3A_44  : i32 {
          %mul3A_47 = arith.constant 1 : i32
          %mul3A_48 = arith.muli %scan3A_46, %mul3A_47 : i32
          %add3A_49 = arith.constant 0 : i32
          %add3A_50 = arith.addi %add3A_49, %mul3A_48 : i32
          %get3A = arith.index_cast %add3A_50 : i32 to index
          %get3A_51 = arith.constant 0 : index
          %get3A_52 = tpu.vector_load %arg10[%get3A, %get3A_51] {strides = array<i32>} : memref<128x16xf32, #tpu.memory_space<vmem>>, vector<1x16xf32>,
          %get3A_53 = vector.shape_cast %get3A_52 : vector<1x16xf32> to vector<1x16xf32>
          %slice3A = vector.extract_strided_slice %get3A_53 {offsets = [0, 0], sizes = [1, 1], strides = [1, 1]} : vector<1x16xf32> to vector<1x1xf32>
          %squeeze3A = vector.extract %slice3A[0, 0] : f32 from vector<1x1xf32>
          %broadcast_in_dim3A = vector.broadcast %squeeze3A : f32 to vector<1x16xf32>
          %get3A_54 = arith.index_cast %add3A_50 : i32 to index
          %get3A_55 = arith.constant 0 : index
          %get3A_56 = tpu.vector_load %arg9[%get3A_54, %get3A_55] {strides = array<i32>} : memref<128x128xf32, #tpu.memory_space<vmem>>, vector<1x16xf32>,
          %get3A_57 = vector.shape_cast %get3A_56 : vector<1x16xf32> to vector<1x16xf32>
          %mul3A_58 = arith.mulf %get3A_57, %broadcast_in_dim3A : vector<1x16xf32>
          %swap3A = arith.index_cast %add3A_50 : i32 to index
          %swap3A_59 = arith.constant 0 : index
          %swap3A_60 = tpu.vector_load %arg11[%swap3A, %swap3A_59] {strides = array<i32>} : memref<128x128xf32, #tpu.memory_space<vmem>>, vector<1x16xf32>,
          %swap3A_61 = vector.shape_cast %swap3A_60 : vector<1x16xf32> to vector<1x16xf32>
          %swap3A_62 = vector.shape_cast %mul3A_58 : vector<1x16xf32> to vector<1x16xf32>
          tpu.vector_store %arg11[%swap3A, %swap3A_59], %swap3A_62 {strides = array<i32>} : memref<128x128xf32, #tpu.memory_space<vmem>>, vector<1x16xf32>,
          %get3A_63 = arith.index_cast %add3A_50 : i32 to index
          %get3A_64 = arith.constant 16 : index
          %get3A_65 = tpu.vector_load %arg9[%get3A_63, %get3A_64] {strides = array<i32>} : memref<128x128xf32, #tpu.memory_space<vmem>>, vector<1x16xf32>,
          %get3A_66 = vector.shape_cast %get3A_65 : vector<1x16xf32> to vector<1x16xf32>
          %mul3A_67 = arith.mulf %get3A_66, %broadcast_in_dim3A : vector<1x16xf32>
          %swap3A_68 = arith.index_cast %add3A_50 : i32 to index
          %swap3A_69 = arith.constant 16 : index
          %swap3A_70 = tpu.vector_load %arg11[%swap3A_68, %swap3A_69] {strides = array<i32>} : memref<128x128xf32, #tpu.memory_space<vmem>>, vector<1x16xf32>,
          %swap3A_71 = vector.shape_cast %swap3A_70 : vector<1x16xf32> to vector<1x16xf32>
          %swap3A_72 = vector.shape_cast %mul3A_67 : vector<1x16xf32> to vector<1x16xf32>
          tpu.vector_store %arg11[%swap3A_68, %swap3A_69], %swap3A_72 {strides = array<i32>} : memref<128x128xf32, #tpu.memory_space<vmem>>, vector<1x16xf32>,
          %slice3A_73 = vector.extract_strided_slice %get3A_53 {offsets = [0, 1], sizes = [1, 1], strides = [1, 1]} : vector<1x16xf32> to vector<1x1xf32>
          %squeeze3A_74 = vector.extract %slice3A_73[0, 0] : f32 from vector<1x1xf32>
          %broadcast_in_dim3A_75 = vector.broadcast %squeeze3A_74 : f32 to vector<1x16xf32>
          %get3A_76 = arith.index_cast %add3A_50 : i32 to index
          %get3A_77 = arith.constant 32 : index
          %get3A_78 = tpu.vector_load %arg9[%get3A_76, %get3A_77] {strides = array<i32>} : memref<128x128xf32, #tpu.memory_space<vmem>>, vector<1x16xf32>,
          %get3A_79 = vector.shape_cast %get3A_78 : vector<1x16xf32> to vector<1x16xf32>
          %mul3A_80 = arith.mulf %get3A_79, %broadcast_in_dim3A_75 : vector<1x16xf32>
          %swap3A_81 = arith.index_cast %add3A_50 : i32 to index
          %swap3A_82 = arith.constant 32 : index
          %swap3A_83 = tpu.vector_load %arg11[%swap3A_81, %swap3A_82] {strides = array<i32>} : memref<128x128xf32, #tpu.memory_space<vmem>>, vector<1x16xf32>,
          %swap3A_84 = vector.shape_cast %swap3A_83 : vector<1x16xf32> to vector<1x16xf32>
          %swap3A_85 = vector.shape_cast %mul3A_80 : vector<1x16xf32> to vector<1x16xf32>
          tpu.vector_store %arg11[%swap3A_81, %swap3A_82], %swap3A_85 {strides = array<i32>} : memref<128x128xf32, #tpu.memory_space<vmem>>, vector<1x16xf32>,
          %get3A_86 = arith.index_cast %add3A_50 : i32 to index
          %get3A_87 = arith.constant 48 : index
          %get3A_88 = tpu.vector_load %arg9[%get3A_86, %get3A_87] {strides = array<i32>} : memref<128x128xf32, #tpu.memory_space<vmem>>, vector<1x16xf32>,
          %get3A_89 = vector.shape_cast %get3A_88 : vector<1x16xf32> to vector<1x16xf32>
          %mul3A_90 = arith.mulf %get3A_89, %broadcast_in_dim3A_75 : vector<1x16xf32>
          %swap3A_91 = arith.index_cast %add3A_50 : i32 to index
          %swap3A_92 = arith.constant 48 : index
          %swap3A_93 = tpu.vector_load %arg11[%swap3A_91, %swap3A_92] {strides = array<i32>} : memref<128x128xf32, #tpu.memory_space<vmem>>, vector<1x16xf32>,
          %swap3A_94 = vector.shape_cast %swap3A_93 : vector<1x16xf32> to vector<1x16xf32>
          %swap3A_95 = vector.shape_cast %mul3A_90 : vector<1x16xf32> to vector<1x16xf32>
          tpu.vector_store %arg11[%swap3A_91, %swap3A_92], %swap3A_95 {strides = array<i32>} : memref<128x128xf32, #tpu.memory_space<vmem>>, vector<1x16xf32>,
          %slice3A_96 = vector.extract_strided_slice %get3A_53 {offsets = [0, 2], sizes = [1, 1], strides = [1, 1]} : vector<1x16xf32> to vector<1x1xf32>
          %squeeze3A_97 = vector.extract %slice3A_96[0, 0] : f32 from vector<1x1xf32>
          %broadcast_in_dim3A_98 = vector.broadcast %squeeze3A_97 : f32 to vector<1x16xf32>
          %get3A_99 = arith.index_cast %add3A_50 : i32 to index
          %get3A_100 = arith.constant 64 : index
          %get3A_101 = tpu.vector_load %arg9[%get3A_99, %get3A_100] {strides = array<i32>} : memref<128x128xf32, #tpu.memory_space<vmem>>, vector<1x16xf32>,
          %get3A_102 = vector.shape_cast %get3A_101 : vector<1x16xf32> to vector<1x16xf32>
          %mul3A_103 = arith.mulf %get3A_102, %broadcast_in_dim3A_98 : vector<1x16xf32>
          %swap3A_104 = arith.index_cast %add3A_50 : i32 to index
          %swap3A_105 = arith.constant 64 : index
          %swap3A_106 = tpu.vector_load %arg11[%swap3A_104, %swap3A_105] {strides = array<i32>} : memref<128x128xf32, #tpu.memory_space<vmem>>, vector<1x16xf32>,
          %swap3A_107 = vector.shape_cast %swap3A_106 : vector<1x16xf32> to vector<1x16xf32>
          %swap3A_108 = vector.shape_cast %mul3A_103 : vector<1x16xf32> to vector<1x16xf32>
          tpu.vector_store %arg11[%swap3A_104, %swap3A_105], %swap3A_108 {strides = array<i32>} : memref<128x128xf32, #tpu.memory_space<vmem>>, vector<1x16xf32>,
          %get3A_109 = arith.index_cast %add3A_50 : i32 to index
          %get3A_110 = arith.constant 80 : index
          %get3A_111 = tpu.vector_load %arg9[%get3A_109, %get3A_110] {strides = array<i32>} : memref<128x128xf32, #tpu.memory_space<vmem>>, vector<1x16xf32>,
          %get3A_112 = vector.shape_cast %get3A_111 : vector<1x16xf32> to vector<1x16xf32>
          %mul3A_113 = arith.mulf %get3A_112, %broadcast_in_dim3A_98 : vector<1x16xf32>
          %swap3A_114 = arith.index_cast %add3A_50 : i32 to index
          %swap3A_115 = arith.constant 80 : index
          %swap3A_116 = tpu.vector_load %arg11[%swap3A_114, %swap3A_115] {strides = array<i32>} : memref<128x128xf32, #tpu.memory_space<vmem>>, vector<1x16xf32>,
          %swap3A_117 = vector.shape_cast %swap3A_116 : vector<1x16xf32> to vector<1x16xf32>
          %swap3A_118 = vector.shape_cast %mul3A_113 : vector<1x16xf32> to vector<1x16xf32>
          tpu.vector_store %arg11[%swap3A_114, %swap3A_115], %swap3A_118 {strides = array<i32>} : memref<128x128xf32, #tpu.memory_space<vmem>>, vector<1x16xf32>,
          %slice3A_119 = vector.extract_strided_slice %get3A_53 {offsets = [0, 3], sizes = [1, 1], strides = [1, 1]} : vector<1x16xf32> to vector<1x1xf32>
          %squeeze3A_120 = vector.extract %slice3A_119[0, 0] : f32 from vector<1x1xf32>
          %broadcast_in_dim3A_121 = vector.broadcast %squeeze3A_120 : f32 to vector<1x16xf32>
          %get3A_122 = arith.index_cast %add3A_50 : i32 to index
          %get3A_123 = arith.constant 96 : index
          %get3A_124 = tpu.vector_load %arg9[%get3A_122, %get3A_123] {strides = array<i32>} : memref<128x128xf32, #tpu.memory_space<vmem>>, vector<1x16xf32>,
          %get3A_125 = vector.shape_cast %get3A_124 : vector<1x16xf32> to vector<1x16xf32>
          %mul3A_126 = arith.mulf %get3A_125, %broadcast_in_dim3A_121 : vector<1x16xf32>
          %swap3A_127 = arith.index_cast %add3A_50 : i32 to index
          %swap3A_128 = arith.constant 96 : index
          %swap3A_129 = tpu.vector_load %arg11[%swap3A_127, %swap3A_128] {strides = array<i32>} : memref<128x128xf32, #tpu.memory_space<vmem>>, vector<1x16xf32>,
          %swap3A_130 = vector.shape_cast %swap3A_129 : vector<1x16xf32> to vector<1x16xf32>
          %swap3A_131 = vector.shape_cast %mul3A_126 : vector<1x16xf32> to vector<1x16xf32>
          tpu.vector_store %arg11[%swap3A_127, %swap3A_128], %swap3A_131 {strides = array<i32>} : memref<128x128xf32, #tpu.memory_space<vmem>>, vector<1x16xf32>,
          %get3A_132 = arith.index_cast %add3A_50 : i32 to index
          %get3A_133 = arith.constant 112 : index
          %get3A_134 = tpu.vector_load %arg9[%get3A_132, %get3A_133] {strides = array<i32>} : memref<128x128xf32, #tpu.memory_space<vmem>>, vector<1x16xf32>,
          %get3A_135 = vector.shape_cast %get3A_134 : vector<1x16xf32> to vector<1x16xf32>
          %mul3A_136 = arith.mulf %get3A_135, %broadcast_in_dim3A_121 : vector<1x16xf32>
          %swap3A_137 = arith.index_cast %add3A_50 : i32 to index
          %swap3A_138 = arith.constant 112 : index
          %swap3A_139 = tpu.vector_load %arg11[%swap3A_137, %swap3A_138] {strides = array<i32>} : memref<128x128xf32, #tpu.memory_space<vmem>>, vector<1x16xf32>,
          %swap3A_140 = vector.shape_cast %swap3A_139 : vector<1x16xf32> to vector<1x16xf32>
          %swap3A_141 = vector.shape_cast %mul3A_136 : vector<1x16xf32> to vector<1x16xf32>
          tpu.vector_store %arg11[%swap3A_137, %swap3A_138], %swap3A_141 {strides = array<i32>} : memref<128x128xf32, #tpu.memory_space<vmem>>, vector<1x16xf32>,
        }
        %scan3A_45 = arith.constant 128 : i32
        "tpu.region"() ({
          %run_scoped3A = tpu.sem_alloc : memref<!tpu.dma_semaphore, #tpu.memory_space<semaphore_mem>>
          %dma_start3A_46 = arith.constant 0 : i32
          %dma_start3A_47 = arith.constant 0 : i32
          %dma_start3A_48 = tpu.memref_slice %arg12[%dma_start3A_46, %dma_start3A_47] : memref<10000x128xf32, #tpu.memory_space<vmem_shared>> -> memref<10000x128xf32, #tpu.memory_space<vmem_shared>>
          tpu.enqueue_indirect_dma source(%arg11 : memref<128x128xf32, #tpu.memory_space<vmem>>) target(%dma_start3A_48 : memref<10000x128xf32, #tpu.memory_space<vmem_shared>>) offsets(%arg8 : memref<128xi32, #tpu.memory_space<vmem>>) semaphore(%run_scoped3A : memref<!tpu.dma_semaphore, #tpu.memory_space<semaphore_mem>>) {add = true}
          %dma_wait3A_49 = arith.constant 0 : i32
          %dma_wait3A_50 = arith.constant 0 : i32
          %dma_wait3A_51 = tpu.memref_slice %arg12[%dma_wait3A_49, %dma_wait3A_50] : memref<10000x128xf32, #tpu.memory_space<vmem_shared>> -> memref<10000x128xf32, #tpu.memory_space<vmem_shared>>
          tpu.wait_indirect_dma semaphore(%run_scoped3A : memref<!tpu.dma_semaphore, #tpu.memory_space<semaphore_mem>>) src(%arg11 : memref<128x128xf32, #tpu.memory_space<vmem>>) dst(%dma_wait3A_51 : memref<10000x128xf32, #tpu.memory_space<vmem_shared>>)
          tpu.yield
        }) : () -> ()
      } else {
      }
    }
    %scan3A_11 = arith.constant 79 : i32
    %barrier3A_12 = arith.constant 0 : index
    tpu.barrier barrier_id(%barrier3A_12)
    %lt3A = arith.constant 15 : i32
    %lt3A_13 = arith.cmpi slt, %arg1, %lt3A : i32
    %convert_element_type3A_14 = arith.extui %lt3A_13 : i1 to i32
    %cond3A_15 = arith.constant 0 : i32
    %cond3A_16 = arith.cmpi ne, %convert_element_type3A_14, %cond3A_15 : i32
    scf.if %cond3A_16 {
      %mul3A_22 = arith.constant 624 : i32
      %mul3A_23 = arith.muli %arg1, %mul3A_22 : i32
      %mul3A_24 = arith.constant 624 : i32
      %mul3A_25 = arith.muli %arg1, %mul3A_24 : i32
      "tpu.region"() ({
        %run_scoped3A = tpu.sem_alloc : memref<!tpu.dma_semaphore, #tpu.memory_space<semaphore_mem>>
        %dma_start3A = arith.constant 0 : i32
        %dma_start3A_26 = tpu.memref_slice %arg6[%arg0, %mul3A_25, %dma_start3A] : memref<2x10000x128xf32, #tpu.memory_space<hbm>> -> memref<1x624x128xf32, #tpu.memory_space<hbm>>
        %dma_start3A_27 = tpu.memref_squeeze %dma_start3A_26 : memref<1x624x128xf32, #tpu.memory_space<hbm>> -> memref<624x128xf32, #tpu.memory_space<hbm>>
        %dma_start3A_28 = arith.constant 0 : i32
        %dma_start3A_29 = tpu.memref_slice %arg12[%mul3A_23, %dma_start3A_28] : memref<10000x128xf32, #tpu.memory_space<vmem_shared>> -> memref<624x128xf32, #tpu.memory_space<vmem_shared>>
        tpu.enqueue_dma source(%dma_start3A_29 : memref<624x128xf32, #tpu.memory_space<vmem_shared>>) target(%dma_start3A_27 : memref<624x128xf32, #tpu.memory_space<hbm>>) target_semaphore(%run_scoped3A : memref<!tpu.dma_semaphore, #tpu.memory_space<semaphore_mem>>)
        %dma_wait3A = arith.constant 0 : i32
        %dma_wait3A_30 = tpu.memref_slice %arg6[%arg0, %mul3A_25, %dma_wait3A] : memref<2x10000x128xf32, #tpu.memory_space<hbm>> -> memref<1x624x128xf32, #tpu.memory_space<hbm>>
        %dma_wait3A_31 = tpu.memref_squeeze %dma_wait3A_30 : memref<1x624x128xf32, #tpu.memory_space<hbm>> -> memref<624x128xf32, #tpu.memory_space<hbm>>
        %dma_wait3A_32 = arith.constant 0 : i32
        %dma_wait3A_33 = tpu.memref_slice %arg12[%mul3A_23, %dma_wait3A_32] : memref<10000x128xf32, #tpu.memory_space<vmem_shared>> -> memref<624x128xf32, #tpu.memory_space<vmem_shared>>
        tpu.wait_dma2 semaphore(%run_scoped3A : memref<!tpu.dma_semaphore, #tpu.memory_space<semaphore_mem>>) src(%dma_wait3A_33 : memref<624x128xf32, #tpu.memory_space<vmem_shared>>) dst(%dma_wait3A_31 : memref<624x128xf32, #tpu.memory_space<hbm>>)
        tpu.yield
      }) : () -> ()
    } else {
    }
    %eq3A_17 = arith.constant 15 : i32
    %eq3A_18 = arith.cmpi eq, %arg1, %eq3A_17 : i32
    %convert_element_type3A_19 = arith.extui %eq3A_18 : i1 to i32
    %cond3A_20 = arith.constant 0 : i32
    %cond3A_21 = arith.cmpi ne, %convert_element_type3A_19, %cond3A_20 : i32
    scf.if %cond3A_21 {
      "tpu.region"() ({
        %run_scoped3A = tpu.sem_alloc : memref<!tpu.dma_semaphore, #tpu.memory_space<semaphore_mem>>
        %dma_start3A = arith.constant 9360 : i32
        %dma_start3A_22 = arith.constant 0 : i32
        %dma_start3A_23 = tpu.memref_slice %arg6[%arg0, %dma_start3A, %dma_start3A_22] : memref<2x10000x128xf32, #tpu.memory_space<hbm>> -> memref<1x640x128xf32, #tpu.memory_space<hbm>>
        %dma_start3A_24 = tpu.memref_squeeze %dma_start3A_23 : memref<1x640x128xf32, #tpu.memory_space<hbm>> -> memref<640x128xf32, #tpu.memory_space<hbm>>
        %dma_start3A_25 = arith.constant 9360 : i32
        %dma_start3A_26 = arith.constant 0 : i32
        %dma_start3A_27 = tpu.memref_slice %arg12[%dma_start3A_25, %dma_start3A_26] : memref<10000x128xf32, #tpu.memory_space<vmem_shared>> -> memref<640x128xf32, #tpu.memory_space<vmem_shared>>
        tpu.enqueue_dma source(%dma_start3A_27 : memref<640x128xf32, #tpu.memory_space<vmem_shared>>) target(%dma_start3A_24 : memref<640x128xf32, #tpu.memory_space<hbm>>) target_semaphore(%run_scoped3A : memref<!tpu.dma_semaphore, #tpu.memory_space<semaphore_mem>>)
        %dma_wait3A = arith.constant 9360 : i32
        %dma_wait3A_28 = arith.constant 0 : i32
        %dma_wait3A_29 = tpu.memref_slice %arg6[%arg0, %dma_wait3A, %dma_wait3A_28] : memref<2x10000x128xf32, #tpu.memory_space<hbm>> -> memref<1x640x128xf32, #tpu.memory_space<hbm>>
        %dma_wait3A_30 = tpu.memref_squeeze %dma_wait3A_29 : memref<1x640x128xf32, #tpu.memory_space<hbm>> -> memref<640x128xf32, #tpu.memory_space<hbm>>
        %dma_wait3A_31 = arith.constant 9360 : i32
        %dma_wait3A_32 = arith.constant 0 : i32
        %dma_wait3A_33 = tpu.memref_slice %arg12[%dma_wait3A_31, %dma_wait3A_32] : memref<10000x128xf32, #tpu.memory_space<vmem_shared>> -> memref<640x128xf32, #tpu.memory_space<vmem_shared>>
        tpu.wait_dma2 semaphore(%run_scoped3A : memref<!tpu.dma_semaphore, #tpu.memory_space<semaphore_mem>>) src(%dma_wait3A_33 : memref<640x128xf32, #tpu.memory_space<vmem_shared>>) dst(%dma_wait3A_30 : memref<640x128xf32, #tpu.memory_space<hbm>>)
        tpu.yield
      }) : () -> ()
    } else {
    }
    return
  }
}

#map = affine_map<(d0, d1) -> (0)>
#map1 = affine_map<(d0, d1) -> (0, 0)>
#map2 = affine_map<(d0, d1) -> (0, 0, 0)>
module attributes {stable_mosaic.version = 14 : i64} {
  func.func @_denoms(%arg0: i32, %arg1: i32, %arg2: memref<320000xi32, #tpu.memory_space<hbm>>, %arg3: memref<320000x16xf32, #tpu.memory_space<hbm>>, %arg4: memref<2x10000x128xf32, #tpu.memory_space<hbm>>, %arg5: memref<128xi32, #tpu.memory_space<vmem>>, %arg6: memref<128x16xf32, #tpu.memory_space<vmem>>, %arg7: memref<128x128xf32, #tpu.memory_space<vmem>>, %arg8: memref<10000x128xf32, #tpu.memory_space<vmem_shared>>) attributes {dimension_semantics = [#tpu.dimension_semantics<core_parallel>, #tpu.dimension_semantics<subcore_parallel>], iteration_bounds = array<i64: 2, 16>, scalar_prefetch = 0 : i64, scratch_operands = 4 : i64, tpu.core_type = #tpu.core_type<sc_vector_subcore>, window_params = [{transform_indices = #map}, {transform_indices = #map1}, {transform_indices = #map2}]} {
    %mul3A = arith.constant 2 : i32
    %mul3A_0 = arith.muli %arg1, %mul3A : i32
    %add3A = arith.addi %mul3A_0, %arg0 : i32
    %scan3A = arith.constant 0 : i32
    %scan3A_1 = arith.constant 128 : i32
    %scan3A_2 = arith.addi %scan3A, %scan3A_1 : i32
    %scan3A_3 = arith.constant 1 : i32
    scf.for %scan3A_22 = %scan3A to %scan3A_2 step %scan3A_3  : i32 {
      %mul3A_23 = arith.constant 1 : i32
      %mul3A_24 = arith.muli %scan3A_22, %mul3A_23 : i32
      %add3A_25 = arith.constant 0 : i32
      %add3A_26 = arith.addi %add3A_25, %mul3A_24 : i32
      %broadcast_in_dim3A = arith.constant 0.000000e+00 : f32
      %broadcast_in_dim3A_27 = vector.broadcast %broadcast_in_dim3A : f32 to vector<1x16xf32>
      %swap3A = arith.index_cast %add3A_26 : i32 to index
      %swap3A_28 = arith.constant 0 : index
      %swap3A_29 = tpu.vector_load %arg7[%swap3A, %swap3A_28] {strides = array<i32>} : memref<128x128xf32, #tpu.memory_space<vmem>>, vector<1x16xf32>,
      %swap3A_30 = vector.shape_cast %swap3A_29 : vector<1x16xf32> to vector<1x16xf32>
      %swap3A_31 = vector.shape_cast %broadcast_in_dim3A_27 : vector<1x16xf32> to vector<1x16xf32>
      tpu.vector_store %arg7[%swap3A, %swap3A_28], %swap3A_31 {strides = array<i32>} : memref<128x128xf32, #tpu.memory_space<vmem>>, vector<1x16xf32>,
      %broadcast_in_dim3A_32 = arith.constant 0.000000e+00 : f32
      %broadcast_in_dim3A_33 = vector.broadcast %broadcast_in_dim3A_32 : f32 to vector<1x16xf32>
      %swap3A_34 = arith.index_cast %add3A_26 : i32 to index
      %swap3A_35 = arith.constant 16 : index
      %swap3A_36 = tpu.vector_load %arg7[%swap3A_34, %swap3A_35] {strides = array<i32>} : memref<128x128xf32, #tpu.memory_space<vmem>>, vector<1x16xf32>,
      %swap3A_37 = vector.shape_cast %swap3A_36 : vector<1x16xf32> to vector<1x16xf32>
      %swap3A_38 = vector.shape_cast %broadcast_in_dim3A_33 : vector<1x16xf32> to vector<1x16xf32>
      tpu.vector_store %arg7[%swap3A_34, %swap3A_35], %swap3A_38 {strides = array<i32>} : memref<128x128xf32, #tpu.memory_space<vmem>>, vector<1x16xf32>,
      %broadcast_in_dim3A_39 = arith.constant 0.000000e+00 : f32
      %broadcast_in_dim3A_40 = vector.broadcast %broadcast_in_dim3A_39 : f32 to vector<1x16xf32>
      %swap3A_41 = arith.index_cast %add3A_26 : i32 to index
      %swap3A_42 = arith.constant 32 : index
      %swap3A_43 = tpu.vector_load %arg7[%swap3A_41, %swap3A_42] {strides = array<i32>} : memref<128x128xf32, #tpu.memory_space<vmem>>, vector<1x16xf32>,
      %swap3A_44 = vector.shape_cast %swap3A_43 : vector<1x16xf32> to vector<1x16xf32>
      %swap3A_45 = vector.shape_cast %broadcast_in_dim3A_40 : vector<1x16xf32> to vector<1x16xf32>
      tpu.vector_store %arg7[%swap3A_41, %swap3A_42], %swap3A_45 {strides = array<i32>} : memref<128x128xf32, #tpu.memory_space<vmem>>, vector<1x16xf32>,
      %broadcast_in_dim3A_46 = arith.constant 0.000000e+00 : f32
      %broadcast_in_dim3A_47 = vector.broadcast %broadcast_in_dim3A_46 : f32 to vector<1x16xf32>
      %swap3A_48 = arith.index_cast %add3A_26 : i32 to index
      %swap3A_49 = arith.constant 48 : index
      %swap3A_50 = tpu.vector_load %arg7[%swap3A_48, %swap3A_49] {strides = array<i32>} : memref<128x128xf32, #tpu.memory_space<vmem>>, vector<1x16xf32>,
      %swap3A_51 = vector.shape_cast %swap3A_50 : vector<1x16xf32> to vector<1x16xf32>
      %swap3A_52 = vector.shape_cast %broadcast_in_dim3A_47 : vector<1x16xf32> to vector<1x16xf32>
      tpu.vector_store %arg7[%swap3A_48, %swap3A_49], %swap3A_52 {strides = array<i32>} : memref<128x128xf32, #tpu.memory_space<vmem>>, vector<1x16xf32>,
      %broadcast_in_dim3A_53 = arith.constant 0.000000e+00 : f32
      %broadcast_in_dim3A_54 = vector.broadcast %broadcast_in_dim3A_53 : f32 to vector<1x16xf32>
      %swap3A_55 = arith.index_cast %add3A_26 : i32 to index
      %swap3A_56 = arith.constant 64 : index
      %swap3A_57 = tpu.vector_load %arg7[%swap3A_55, %swap3A_56] {strides = array<i32>} : memref<128x128xf32, #tpu.memory_space<vmem>>, vector<1x16xf32>,
      %swap3A_58 = vector.shape_cast %swap3A_57 : vector<1x16xf32> to vector<1x16xf32>
      %swap3A_59 = vector.shape_cast %broadcast_in_dim3A_54 : vector<1x16xf32> to vector<1x16xf32>
      tpu.vector_store %arg7[%swap3A_55, %swap3A_56], %swap3A_59 {strides = array<i32>} : memref<128x128xf32, #tpu.memory_space<vmem>>, vector<1x16xf32>,
      %broadcast_in_dim3A_60 = arith.constant 0.000000e+00 : f32
      %broadcast_in_dim3A_61 = vector.broadcast %broadcast_in_dim3A_60 : f32 to vector<1x16xf32>
      %swap3A_62 = arith.index_cast %add3A_26 : i32 to index
      %swap3A_63 = arith.constant 80 : index
      %swap3A_64 = tpu.vector_load %arg7[%swap3A_62, %swap3A_63] {strides = array<i32>} : memref<128x128xf32, #tpu.memory_space<vmem>>, vector<1x16xf32>,
      %swap3A_65 = vector.shape_cast %swap3A_64 : vector<1x16xf32> to vector<1x16xf32>
      %swap3A_66 = vector.shape_cast %broadcast_in_dim3A_61 : vector<1x16xf32> to vector<1x16xf32>
      tpu.vector_store %arg7[%swap3A_62, %swap3A_63], %swap3A_66 {strides = array<i32>} : memref<128x128xf32, #tpu.memory_space<vmem>>, vector<1x16xf32>,
      %broadcast_in_dim3A_67 = arith.constant 0.000000e+00 : f32
      %broadcast_in_dim3A_68 = vector.broadcast %broadcast_in_dim3A_67 : f32 to vector<1x16xf32>
      %swap3A_69 = arith.index_cast %add3A_26 : i32 to index
      %swap3A_70 = arith.constant 96 : index
      %swap3A_71 = tpu.vector_load %arg7[%swap3A_69, %swap3A_70] {strides = array<i32>} : memref<128x128xf32, #tpu.memory_space<vmem>>, vector<1x16xf32>,
      %swap3A_72 = vector.shape_cast %swap3A_71 : vector<1x16xf32> to vector<1x16xf32>
      %swap3A_73 = vector.shape_cast %broadcast_in_dim3A_68 : vector<1x16xf32> to vector<1x16xf32>
      tpu.vector_store %arg7[%swap3A_69, %swap3A_70], %swap3A_73 {strides = array<i32>} : memref<128x128xf32, #tpu.memory_space<vmem>>, vector<1x16xf32>,
      %broadcast_in_dim3A_74 = arith.constant 0.000000e+00 : f32
      %broadcast_in_dim3A_75 = vector.broadcast %broadcast_in_dim3A_74 : f32 to vector<1x16xf32>
      %swap3A_76 = arith.index_cast %add3A_26 : i32 to index
      %swap3A_77 = arith.constant 112 : index
      %swap3A_78 = tpu.vector_load %arg7[%swap3A_76, %swap3A_77] {strides = array<i32>} : memref<128x128xf32, #tpu.memory_space<vmem>>, vector<1x16xf32>,
      %swap3A_79 = vector.shape_cast %swap3A_78 : vector<1x16xf32> to vector<1x16xf32>
      %swap3A_80 = vector.shape_cast %broadcast_in_dim3A_75 : vector<1x16xf32> to vector<1x16xf32>
      tpu.vector_store %arg7[%swap3A_76, %swap3A_77], %swap3A_80 {strides = array<i32>} : memref<128x128xf32, #tpu.memory_space<vmem>>, vector<1x16xf32>,
    }
    %scan3A_4 = arith.constant 128 : i32
    %eq3A = arith.constant 0 : i32
    %eq3A_5 = arith.cmpi eq, %arg1, %eq3A : i32
    %convert_element_type3A = arith.extui %eq3A_5 : i1 to i32
    %cond3A = arith.constant 0 : i32
    %cond3A_6 = arith.cmpi ne, %convert_element_type3A, %cond3A : i32
    scf.if %cond3A_6 {
      %scan3A_22 = arith.constant 0 : i32
      %scan3A_23 = arith.constant 78 : i32
      %scan3A_24 = arith.addi %scan3A_22, %scan3A_23 : i32
      %scan3A_25 = arith.constant 1 : i32
      scf.for %scan3A_27 = %scan3A_22 to %scan3A_24 step %scan3A_25  : i32 {
        %mul3A_28 = arith.constant 1 : i32
        %mul3A_29 = arith.muli %scan3A_27, %mul3A_28 : i32
        %add3A_30 = arith.constant 0 : i32
        %add3A_31 = arith.addi %add3A_30, %mul3A_29 : i32
        %mul3A_32 = arith.constant 128 : i32
        %mul3A_33 = arith.muli %add3A_31, %mul3A_32 : i32
        "tpu.region"() ({
          %run_scoped3A = tpu.sem_alloc : memref<!tpu.dma_semaphore, #tpu.memory_space<semaphore_mem>>
          %dma_start3A = arith.constant 0 : i32
          %dma_start3A_34 = tpu.memref_slice %arg8[%mul3A_33, %dma_start3A] : memref<10000x128xf32, #tpu.memory_space<vmem_shared>> -> memref<128x128xf32, #tpu.memory_space<vmem_shared>>
          %dma_start3A_35 = arith.constant 0 : i32
          %dma_start3A_36 = tpu.memref_slice %arg8[%mul3A_33, %dma_start3A_35] : memref<10000x128xf32, #tpu.memory_space<vmem_shared>> -> memref<128x128xf32, #tpu.memory_space<vmem_shared>>
          tpu.enqueue_dma source(%arg7 : memref<128x128xf32, #tpu.memory_space<vmem>>) target(%dma_start3A_36 : memref<128x128xf32, #tpu.memory_space<vmem_shared>>) target_semaphore(%run_scoped3A : memref<!tpu.dma_semaphore, #tpu.memory_space<semaphore_mem>>)
          %dma_wait3A = arith.constant 0 : i32
          %dma_wait3A_37 = tpu.memref_slice %arg8[%mul3A_33, %dma_wait3A] : memref<10000x128xf32, #tpu.memory_space<vmem_shared>> -> memref<128x128xf32, #tpu.memory_space<vmem_shared>>
          %dma_wait3A_38 = arith.constant 0 : i32
          %dma_wait3A_39 = tpu.memref_slice %arg8[%mul3A_33, %dma_wait3A_38] : memref<10000x128xf32, #tpu.memory_space<vmem_shared>> -> memref<128x128xf32, #tpu.memory_space<vmem_shared>>
          tpu.wait_dma2 semaphore(%run_scoped3A : memref<!tpu.dma_semaphore, #tpu.memory_space<semaphore_mem>>) src(%arg7 : memref<128x128xf32, #tpu.memory_space<vmem>>) dst(%dma_wait3A_39 : memref<128x128xf32, #tpu.memory_space<vmem_shared>>)
          tpu.yield
        }) : () -> ()
      }
      %scan3A_26 = arith.constant 78 : i32
      "tpu.region"() ({
        %run_scoped3A = tpu.sem_alloc : memref<!tpu.dma_semaphore, #tpu.memory_space<semaphore_mem>>
        %dma_start3A = arith.constant 0 : i32
        %dma_start3A_27 = arith.constant 0 : i32
        %dma_start3A_28 = tpu.memref_slice %arg7[%dma_start3A, %dma_start3A_27] : memref<128x128xf32, #tpu.memory_space<vmem>> -> memref<16x128xf32, #tpu.memory_space<vmem>>
        %dma_start3A_29 = arith.constant 9984 : i32
        %dma_start3A_30 = arith.constant 0 : i32
        %dma_start3A_31 = tpu.memref_slice %arg8[%dma_start3A_29, %dma_start3A_30] : memref<10000x128xf32, #tpu.memory_space<vmem_shared>> -> memref<16x128xf32, #tpu.memory_space<vmem_shared>>
        %dma_start3A_32 = arith.constant 9984 : i32
        %dma_start3A_33 = arith.constant 0 : i32
        %dma_start3A_34 = tpu.memref_slice %arg8[%dma_start3A_32, %dma_start3A_33] : memref<10000x128xf32, #tpu.memory_space<vmem_shared>> -> memref<16x128xf32, #tpu.memory_space<vmem_shared>>
        %dma_start3A_35 = arith.constant 0 : i32
        %dma_start3A_36 = arith.constant 0 : i32
        %dma_start3A_37 = tpu.memref_slice %arg7[%dma_start3A_35, %dma_start3A_36] : memref<128x128xf32, #tpu.memory_space<vmem>> -> memref<16x128xf32, #tpu.memory_space<vmem>>
        tpu.enqueue_dma source(%dma_start3A_37 : memref<16x128xf32, #tpu.memory_space<vmem>>) target(%dma_start3A_34 : memref<16x128xf32, #tpu.memory_space<vmem_shared>>) target_semaphore(%run_scoped3A : memref<!tpu.dma_semaphore, #tpu.memory_space<semaphore_mem>>)
        %dma_wait3A = arith.constant 0 : i32
        %dma_wait3A_38 = arith.constant 0 : i32
        %dma_wait3A_39 = tpu.memref_slice %arg7[%dma_wait3A, %dma_wait3A_38] : memref<128x128xf32, #tpu.memory_space<vmem>> -> memref<16x128xf32, #tpu.memory_space<vmem>>
        %dma_wait3A_40 = arith.constant 9984 : i32
        %dma_wait3A_41 = arith.constant 0 : i32
        %dma_wait3A_42 = tpu.memref_slice %arg8[%dma_wait3A_40, %dma_wait3A_41] : memref<10000x128xf32, #tpu.memory_space<vmem_shared>> -> memref<16x128xf32, #tpu.memory_space<vmem_shared>>
        %dma_wait3A_43 = arith.constant 9984 : i32
        %dma_wait3A_44 = arith.constant 0 : i32
        %dma_wait3A_45 = tpu.memref_slice %arg8[%dma_wait3A_43, %dma_wait3A_44] : memref<10000x128xf32, #tpu.memory_space<vmem_shared>> -> memref<16x128xf32, #tpu.memory_space<vmem_shared>>
        %dma_wait3A_46 = arith.constant 0 : i32
        %dma_wait3A_47 = arith.constant 0 : i32
        %dma_wait3A_48 = tpu.memref_slice %arg7[%dma_wait3A_46, %dma_wait3A_47] : memref<128x128xf32, #tpu.memory_space<vmem>> -> memref<16x128xf32, #tpu.memory_space<vmem>>
        tpu.wait_dma2 semaphore(%run_scoped3A : memref<!tpu.dma_semaphore, #tpu.memory_space<semaphore_mem>>) src(%dma_wait3A_48 : memref<16x128xf32, #tpu.memory_space<vmem>>) dst(%dma_wait3A_45 : memref<16x128xf32, #tpu.memory_space<vmem_shared>>)
        tpu.yield
      }) : () -> ()
    } else {
    }
    %barrier3A = arith.constant 0 : index
    tpu.barrier barrier_id(%barrier3A)
    %scan3A_7 = arith.constant 0 : i32
    %scan3A_8 = arith.constant 79 : i32
    %scan3A_9 = arith.addi %scan3A_7, %scan3A_8 : i32
    %scan3A_10 = arith.constant 1 : i32
    scf.for %scan3A_22 = %scan3A_7 to %scan3A_9 step %scan3A_10  : i32 {
      %mul3A_23 = arith.constant 1 : i32
      %mul3A_24 = arith.muli %scan3A_22, %mul3A_23 : i32
      %add3A_25 = arith.constant 0 : i32
      %add3A_26 = arith.addi %add3A_25, %mul3A_24 : i32
      %mul3A_27 = arith.constant 32 : i32
      %mul3A_28 = arith.muli %add3A_26, %mul3A_27 : i32
      %add3A_29 = arith.addi %add3A, %mul3A_28 : i32
      %lt3A_30 = arith.constant 2500 : i32
      %lt3A_31 = arith.cmpi slt, %add3A_29, %lt3A_30 : i32
      %convert_element_type3A_32 = arith.extui %lt3A_31 : i1 to i32
      %cond3A_33 = arith.constant 0 : i32
      %cond3A_34 = arith.cmpi ne, %convert_element_type3A_32, %cond3A_33 : i32
      scf.if %cond3A_34 {
        %mul3A_35 = arith.constant 128 : i32
        %mul3A_36 = arith.muli %add3A_29, %mul3A_35 : i32
        "tpu.region"() ({
          %run_scoped3A = tpu.sem_alloc : memref<!tpu.dma_semaphore, #tpu.memory_space<semaphore_mem>>
          %dma_start3A = tpu.memref_slice %arg2[%mul3A_36] : memref<320000xi32, #tpu.memory_space<hbm>> -> memref<128xi32, #tpu.memory_space<hbm>>
          %dma_start3A_42 = tpu.memref_slice %arg2[%mul3A_36] : memref<320000xi32, #tpu.memory_space<hbm>> -> memref<128xi32, #tpu.memory_space<hbm>>
          tpu.enqueue_dma source(%dma_start3A_42 : memref<128xi32, #tpu.memory_space<hbm>>) target(%arg5 : memref<128xi32, #tpu.memory_space<vmem>>) target_semaphore(%run_scoped3A : memref<!tpu.dma_semaphore, #tpu.memory_space<semaphore_mem>>)
          %dma_wait3A = tpu.memref_slice %arg2[%mul3A_36] : memref<320000xi32, #tpu.memory_space<hbm>> -> memref<128xi32, #tpu.memory_space<hbm>>
          %dma_wait3A_43 = tpu.memref_slice %arg2[%mul3A_36] : memref<320000xi32, #tpu.memory_space<hbm>> -> memref<128xi32, #tpu.memory_space<hbm>>
          tpu.wait_dma2 semaphore(%run_scoped3A : memref<!tpu.dma_semaphore, #tpu.memory_space<semaphore_mem>>) src(%dma_wait3A_43 : memref<128xi32, #tpu.memory_space<hbm>>) dst(%arg5 : memref<128xi32, #tpu.memory_space<vmem>>)
          tpu.yield
        }) : () -> ()
        "tpu.region"() ({
          %run_scoped3A = tpu.sem_alloc : memref<!tpu.dma_semaphore, #tpu.memory_space<semaphore_mem>>
          %dma_start3A = arith.constant 0 : i32
          %dma_start3A_42 = tpu.memref_slice %arg3[%mul3A_36, %dma_start3A] : memref<320000x16xf32, #tpu.memory_space<hbm>> -> memref<128x16xf32, #tpu.memory_space<hbm>>
          %dma_start3A_43 = arith.constant 0 : i32
          %dma_start3A_44 = tpu.memref_slice %arg3[%mul3A_36, %dma_start3A_43] : memref<320000x16xf32, #tpu.memory_space<hbm>> -> memref<128x16xf32, #tpu.memory_space<hbm>>
          tpu.enqueue_dma source(%dma_start3A_44 : memref<128x16xf32, #tpu.memory_space<hbm>>) target(%arg6 : memref<128x16xf32, #tpu.memory_space<vmem>>) target_semaphore(%run_scoped3A : memref<!tpu.dma_semaphore, #tpu.memory_space<semaphore_mem>>)
          %dma_wait3A = arith.constant 0 : i32
          %dma_wait3A_45 = tpu.memref_slice %arg3[%mul3A_36, %dma_wait3A] : memref<320000x16xf32, #tpu.memory_space<hbm>> -> memref<128x16xf32, #tpu.memory_space<hbm>>
          %dma_wait3A_46 = arith.constant 0 : i32
          %dma_wait3A_47 = tpu.memref_slice %arg3[%mul3A_36, %dma_wait3A_46] : memref<320000x16xf32, #tpu.memory_space<hbm>> -> memref<128x16xf32, #tpu.memory_space<hbm>>
          tpu.wait_dma2 semaphore(%run_scoped3A : memref<!tpu.dma_semaphore, #tpu.memory_space<semaphore_mem>>) src(%dma_wait3A_47 : memref<128x16xf32, #tpu.memory_space<hbm>>) dst(%arg6 : memref<128x16xf32, #tpu.memory_space<vmem>>)
          tpu.yield
        }) : () -> ()
        %scan3A_37 = arith.constant 0 : i32
        %scan3A_38 = arith.constant 128 : i32
        %scan3A_39 = arith.addi %scan3A_37, %scan3A_38 : i32
        %scan3A_40 = arith.constant 1 : i32
        scf.for %scan3A_42 = %scan3A_37 to %scan3A_39 step %scan3A_40  : i32 {
          %mul3A_43 = arith.constant 1 : i32
          %mul3A_44 = arith.muli %scan3A_42, %mul3A_43 : i32
          %add3A_45 = arith.constant 0 : i32
          %add3A_46 = arith.addi %add3A_45, %mul3A_44 : i32
          %get3A = arith.index_cast %add3A_46 : i32 to index
          %get3A_47 = arith.constant 0 : index
          %get3A_48 = tpu.vector_load %arg6[%get3A, %get3A_47] {strides = array<i32>} : memref<128x16xf32, #tpu.memory_space<vmem>>, vector<1x16xf32>,
          %get3A_49 = vector.shape_cast %get3A_48 : vector<1x16xf32> to vector<1x16xf32>
          %swap3A = arith.index_cast %add3A_46 : i32 to index
          %swap3A_50 = arith.constant 0 : index
          %swap3A_51 = tpu.vector_load %arg7[%swap3A, %swap3A_50] {strides = array<i32>} : memref<128x128xf32, #tpu.memory_space<vmem>>, vector<1x16xf32>,
          %swap3A_52 = vector.shape_cast %swap3A_51 : vector<1x16xf32> to vector<1x16xf32>
          %swap3A_53 = vector.shape_cast %get3A_49 : vector<1x16xf32> to vector<1x16xf32>
          tpu.vector_store %arg7[%swap3A, %swap3A_50], %swap3A_53 {strides = array<i32>} : memref<128x128xf32, #tpu.memory_space<vmem>>, vector<1x16xf32>,
        }
        %scan3A_41 = arith.constant 128 : i32
        "tpu.region"() ({
          %run_scoped3A = tpu.sem_alloc : memref<!tpu.dma_semaphore, #tpu.memory_space<semaphore_mem>>
          %dma_start3A = arith.constant 0 : i32
          %dma_start3A_42 = arith.constant 0 : i32
          %dma_start3A_43 = tpu.memref_slice %arg8[%dma_start3A, %dma_start3A_42] : memref<10000x128xf32, #tpu.memory_space<vmem_shared>> -> memref<10000x128xf32, #tpu.memory_space<vmem_shared>>
          tpu.enqueue_indirect_dma source(%arg7 : memref<128x128xf32, #tpu.memory_space<vmem>>) target(%dma_start3A_43 : memref<10000x128xf32, #tpu.memory_space<vmem_shared>>) offsets(%arg5 : memref<128xi32, #tpu.memory_space<vmem>>) semaphore(%run_scoped3A : memref<!tpu.dma_semaphore, #tpu.memory_space<semaphore_mem>>) {add = true}
          %dma_wait3A = arith.constant 0 : i32
          %dma_wait3A_44 = arith.constant 0 : i32
          %dma_wait3A_45 = tpu.memref_slice %arg8[%dma_wait3A, %dma_wait3A_44] : memref<10000x128xf32, #tpu.memory_space<vmem_shared>> -> memref<10000x128xf32, #tpu.memory_space<vmem_shared>>
          tpu.wait_indirect_dma semaphore(%run_scoped3A : memref<!tpu.dma_semaphore, #tpu.memory_space<semaphore_mem>>) src(%arg7 : memref<128x128xf32, #tpu.memory_space<vmem>>) dst(%dma_wait3A_45 : memref<10000x128xf32, #tpu.memory_space<vmem_shared>>)
          tpu.yield
        }) : () -> ()
      } else {
      }
    }
    %scan3A_11 = arith.constant 79 : i32
    %barrier3A_12 = arith.constant 0 : index
    tpu.barrier barrier_id(%barrier3A_12)
    %lt3A = arith.constant 15 : i32
    %lt3A_13 = arith.cmpi slt, %arg1, %lt3A : i32
    %convert_element_type3A_14 = arith.extui %lt3A_13 : i1 to i32
    %cond3A_15 = arith.constant 0 : i32
    %cond3A_16 = arith.cmpi ne, %convert_element_type3A_14, %cond3A_15 : i32
    scf.if %cond3A_16 {
      %mul3A_22 = arith.constant 624 : i32
      %mul3A_23 = arith.muli %arg1, %mul3A_22 : i32
      %mul3A_24 = arith.constant 624 : i32
      %mul3A_25 = arith.muli %arg1, %mul3A_24 : i32
      "tpu.region"() ({
        %run_scoped3A = tpu.sem_alloc : memref<!tpu.dma_semaphore, #tpu.memory_space<semaphore_mem>>
        %dma_start3A = arith.constant 0 : i32
        %dma_start3A_26 = tpu.memref_slice %arg4[%arg0, %mul3A_25, %dma_start3A] : memref<2x10000x128xf32, #tpu.memory_space<hbm>> -> memref<1x624x128xf32, #tpu.memory_space<hbm>>
        %dma_start3A_27 = tpu.memref_squeeze %dma_start3A_26 : memref<1x624x128xf32, #tpu.memory_space<hbm>> -> memref<624x128xf32, #tpu.memory_space<hbm>>
        %dma_start3A_28 = arith.constant 0 : i32
        %dma_start3A_29 = tpu.memref_slice %arg8[%mul3A_23, %dma_start3A_28] : memref<10000x128xf32, #tpu.memory_space<vmem_shared>> -> memref<624x128xf32, #tpu.memory_space<vmem_shared>>
        tpu.enqueue_dma source(%dma_start3A_29 : memref<624x128xf32, #tpu.memory_space<vmem_shared>>) target(%dma_start3A_27 : memref<624x128xf32, #tpu.memory_space<hbm>>) target_semaphore(%run_scoped3A : memref<!tpu.dma_semaphore, #tpu.memory_space<semaphore_mem>>)
        %dma_wait3A = arith.constant 0 : i32
        %dma_wait3A_30 = tpu.memref_slice %arg4[%arg0, %mul3A_25, %dma_wait3A] : memref<2x10000x128xf32, #tpu.memory_space<hbm>> -> memref<1x624x128xf32, #tpu.memory_space<hbm>>
        %dma_wait3A_31 = tpu.memref_squeeze %dma_wait3A_30 : memref<1x624x128xf32, #tpu.memory_space<hbm>> -> memref<624x128xf32, #tpu.memory_space<hbm>>
        %dma_wait3A_32 = arith.constant 0 : i32
        %dma_wait3A_33 = tpu.memref_slice %arg8[%mul3A_23, %dma_wait3A_32] : memref<10000x128xf32, #tpu.memory_space<vmem_shared>> -> memref<624x128xf32, #tpu.memory_space<vmem_shared>>
        tpu.wait_dma2 semaphore(%run_scoped3A : memref<!tpu.dma_semaphore, #tpu.memory_space<semaphore_mem>>) src(%dma_wait3A_33 : memref<624x128xf32, #tpu.memory_space<vmem_shared>>) dst(%dma_wait3A_31 : memref<624x128xf32, #tpu.memory_space<hbm>>)
        tpu.yield
      }) : () -> ()
    } else {
    }
    %eq3A_17 = arith.constant 15 : i32
    %eq3A_18 = arith.cmpi eq, %arg1, %eq3A_17 : i32
    %convert_element_type3A_19 = arith.extui %eq3A_18 : i1 to i32
    %cond3A_20 = arith.constant 0 : i32
    %cond3A_21 = arith.cmpi ne, %convert_element_type3A_19, %cond3A_20 : i32
    scf.if %cond3A_21 {
      "tpu.region"() ({
        %run_scoped3A = tpu.sem_alloc : memref<!tpu.dma_semaphore, #tpu.memory_space<semaphore_mem>>
        %dma_start3A = arith.constant 9360 : i32
        %dma_start3A_22 = arith.constant 0 : i32
        %dma_start3A_23 = tpu.memref_slice %arg4[%arg0, %dma_start3A, %dma_start3A_22] : memref<2x10000x128xf32, #tpu.memory_space<hbm>> -> memref<1x640x128xf32, #tpu.memory_space<hbm>>
        %dma_start3A_24 = tpu.memref_squeeze %dma_start3A_23 : memref<1x640x128xf32, #tpu.memory_space<hbm>> -> memref<640x128xf32, #tpu.memory_space<hbm>>
        %dma_start3A_25 = arith.constant 9360 : i32
        %dma_start3A_26 = arith.constant 0 : i32
        %dma_start3A_27 = tpu.memref_slice %arg8[%dma_start3A_25, %dma_start3A_26] : memref<10000x128xf32, #tpu.memory_space<vmem_shared>> -> memref<640x128xf32, #tpu.memory_space<vmem_shared>>
        tpu.enqueue_dma source(%dma_start3A_27 : memref<640x128xf32, #tpu.memory_space<vmem_shared>>) target(%dma_start3A_24 : memref<640x128xf32, #tpu.memory_space<hbm>>) target_semaphore(%run_scoped3A : memref<!tpu.dma_semaphore, #tpu.memory_space<semaphore_mem>>)
        %dma_wait3A = arith.constant 9360 : i32
        %dma_wait3A_28 = arith.constant 0 : i32
        %dma_wait3A_29 = tpu.memref_slice %arg4[%arg0, %dma_wait3A, %dma_wait3A_28] : memref<2x10000x128xf32, #tpu.memory_space<hbm>> -> memref<1x640x128xf32, #tpu.memory_space<hbm>>
        %dma_wait3A_30 = tpu.memref_squeeze %dma_wait3A_29 : memref<1x640x128xf32, #tpu.memory_space<hbm>> -> memref<640x128xf32, #tpu.memory_space<hbm>>
        %dma_wait3A_31 = arith.constant 9360 : i32
        %dma_wait3A_32 = arith.constant 0 : i32
        %dma_wait3A_33 = tpu.memref_slice %arg8[%dma_wait3A_31, %dma_wait3A_32] : memref<10000x128xf32, #tpu.memory_space<vmem_shared>> -> memref<640x128xf32, #tpu.memory_space<vmem_shared>>
        tpu.wait_dma2 semaphore(%run_scoped3A : memref<!tpu.dma_semaphore, #tpu.memory_space<semaphore_mem>>) src(%dma_wait3A_33 : memref<640x128xf32, #tpu.memory_space<vmem_shared>>) dst(%dma_wait3A_30 : memref<640x128xf32, #tpu.memory_space<hbm>>)
        tpu.yield
      }) : () -> ()
    } else {
    }
    return
  }
}

module attributes {stable_mosaic.version = 14 : i64} {
  func.func @_proj_body(%arg0: i32, %arg1: memref<2000x128xf32, #tpu.memory_space<vmem>>, %arg2: memref<128x128xf32, #tpu.memory_space<vmem>>, %arg3: memref<128x128xf32, #tpu.memory_space<vmem>>, %arg4: memref<1x128xf32, #tpu.memory_space<vmem>>, %arg5: memref<1x128xf32, #tpu.memory_space<vmem>>, %arg6: memref<2000x128xf32, #tpu.memory_space<vmem>>, %arg7: memref<2000x128xf32, #tpu.memory_space<vmem>>) attributes {dimension_semantics = [#tpu.dimension_semantics<arbitrary>], iteration_bounds = array<i64: 5>, scalar_prefetch = 0 : i64, scratch_operands = 0 : i64, tpu.core_type = #tpu.core_type<tc>, window_params = [{transform_indices = @transform_0, window_bounds = array<i64: 2000, 128>}, {pipeline_mode = #tpu.pipeline_mode<synchronous>, transform_indices = @transform_1, window_bounds = array<i64: 128, 128>}, {pipeline_mode = #tpu.pipeline_mode<synchronous>, transform_indices = @transform_2, window_bounds = array<i64: 128, 128>}, {pipeline_mode = #tpu.pipeline_mode<synchronous>, transform_indices = @transform_3, window_bounds = array<i64: 1, 128>}, {pipeline_mode = #tpu.pipeline_mode<synchronous>, transform_indices = @transform_4, window_bounds = array<i64: 1, 128>}, {transform_indices = @transform_5, window_bounds = array<i64: 2000, 128>}, {transform_indices = @transform_6, window_bounds = array<i64: 2000, 128>}]} {
    %get3A = arith.constant 0 : index
    %get3A_0 = arith.constant 0 : index
    %get3A_1 = vector.load %arg1[%get3A, %get3A_0] : memref<2000x128xf32, #tpu.memory_space<vmem>>, vector<2000x128xf32>
    %get3A_2 = arith.constant 0 : index
    %get3A_3 = arith.constant 0 : index
    %get3A_4 = vector.load %arg2[%get3A_2, %get3A_3] : memref<128x128xf32, #tpu.memory_space<vmem>>, vector<128x128xf32>
    %dot_general3A = arith.constant dense<0.000000e+00> : vector<2000x128xf32>
    %dot_general3A_5 = tpu.matmul %get3A_1, %get3A_4, %dot_general3A {dimension_numbers = #tpu.dot_dimension_numbers<[1], [0], [0], [1], [0, 0, 1, 1], [], []>, transpose_lhs_hint = false} : vector<2000x128xf32>, vector<128x128xf32>, vector<2000x128xf32> -> vector<2000x128xf32>
    %get3A_6 = arith.constant 0 : index
    %get3A_7 = arith.constant 0 : index
    %get3A_8 = vector.load %arg4[%get3A_6, %get3A_7] : memref<1x128xf32, #tpu.memory_space<vmem>>, vector<1x128xf32>
    %add3A = vector.broadcast %get3A_8 : vector<1x128xf32> to vector<2000x128xf32>
    %add3A_9 = arith.addf %dot_general3A_5, %add3A : vector<2000x128xf32>
    %swap3A = arith.constant 0 : index
    %swap3A_10 = arith.constant 0 : index
    %swap3A_11 = vector.load %arg6[%swap3A, %swap3A_10] : memref<2000x128xf32, #tpu.memory_space<vmem>>, vector<2000x128xf32>
    tpu.vector_store %arg6[%swap3A, %swap3A_10], %add3A_9 {strides = array<i32>} : memref<2000x128xf32, #tpu.memory_space<vmem>>, vector<2000x128xf32>,
    %get3A_12 = arith.constant 0 : index
    %get3A_13 = arith.constant 0 : index
    %get3A_14 = vector.load %arg3[%get3A_12, %get3A_13] : memref<128x128xf32, #tpu.memory_space<vmem>>, vector<128x128xf32>
    %dot_general3A_15 = arith.constant dense<0.000000e+00> : vector<2000x128xf32>
    %dot_general3A_16 = tpu.matmul %get3A_1, %get3A_14, %dot_general3A_15 {dimension_numbers = #tpu.dot_dimension_numbers<[1], [0], [0], [1], [0, 0, 1, 1], [], []>, transpose_lhs_hint = false} : vector<2000x128xf32>, vector<128x128xf32>, vector<2000x128xf32> -> vector<2000x128xf32>
    %get3A_17 = arith.constant 0 : index
    %get3A_18 = arith.constant 0 : index
    %get3A_19 = vector.load %arg5[%get3A_17, %get3A_18] : memref<1x128xf32, #tpu.memory_space<vmem>>, vector<1x128xf32>
    %add3A_20 = vector.broadcast %get3A_19 : vector<1x128xf32> to vector<2000x128xf32>
    %add3A_21 = arith.addf %dot_general3A_16, %add3A_20 : vector<2000x128xf32>
    %swap3A_22 = arith.constant 0 : index
    %swap3A_23 = arith.constant 0 : index
    %swap3A_24 = vector.load %arg7[%swap3A_22, %swap3A_23] : memref<2000x128xf32, #tpu.memory_space<vmem>>, vector<2000x128xf32>
    tpu.vector_store %arg7[%swap3A_22, %swap3A_23], %add3A_21 {strides = array<i32>} : memref<2000x128xf32, #tpu.memory_space<vmem>>, vector<2000x128xf32>,
    return
  }
  func.func @transform_0(%arg0: i32) -> (i32, i32) {
    %c0_i32 = arith.constant 0 : i32
    %c0_i32_0 = arith.constant 0 : i32
    return %arg0, %c0_i32 : i32, i32
  }
  func.func @transform_1(%arg0: i32) -> (i32, i32) {
    %c0_i32 = arith.constant 0 : i32
    %c0_i32_0 = arith.constant 0 : i32
    %c0_i32_1 = arith.constant 0 : i32
    return %c0_i32, %c0_i32_0 : i32, i32
  }
  func.func @transform_2(%arg0: i32) -> (i32, i32) {
    %c0_i32 = arith.constant 0 : i32
    %c0_i32_0 = arith.constant 0 : i32
    %c0_i32_1 = arith.constant 0 : i32
    return %c0_i32, %c0_i32_0 : i32, i32
  }
  func.func @transform_3(%arg0: i32) -> (i32, i32) {
    %c0_i32 = arith.constant 0 : i32
    %c0_i32_0 = arith.constant 0 : i32
    %c0_i32_1 = arith.constant 0 : i32
    return %c0_i32, %c0_i32_0 : i32, i32
  }
  func.func @transform_4(%arg0: i32) -> (i32, i32) {
    %c0_i32 = arith.constant 0 : i32
    %c0_i32_0 = arith.constant 0 : i32
    %c0_i32_1 = arith.constant 0 : i32
    return %c0_i32, %c0_i32_0 : i32, i32
  }
  func.func @transform_5(%arg0: i32) -> (i32, i32) {
    %c0_i32 = arith.constant 0 : i32
    %c0_i32_0 = arith.constant 0 : i32
    return %arg0, %c0_i32 : i32, i32
  }
  func.func @transform_6(%arg0: i32) -> (i32, i32) {
    %c0_i32 = arith.constant 0 : i32
    %c0_i32_0 = arith.constant 0 : i32
    return %arg0, %c0_i32 : i32, i32
  }
}

module attributes {stable_mosaic.version = 14 : i64} {
  func.func @_logits_body(%arg0: i32, %arg1: memref<2560x128xf32, #tpu.memory_space<vmem>>, %arg2: memref<128x16xf32, #tpu.memory_space<vmem>>, %arg3: memref<2560x16xf32, #tpu.memory_space<vmem>>) attributes {dimension_semantics = [#tpu.dimension_semantics<arbitrary>], iteration_bounds = array<i64: 125>, scalar_prefetch = 0 : i64, scratch_operands = 0 : i64, tpu.core_type = #tpu.core_type<tc>, window_params = [{transform_indices = @transform_0, window_bounds = array<i64: 2560, 128>}, {pipeline_mode = #tpu.pipeline_mode<synchronous>, transform_indices = @transform_1, window_bounds = array<i64: 128, 16>}, {transform_indices = @transform_2, window_bounds = array<i64: 2560, 16>}]} {
    %get3A = arith.constant 0 : index
    %get3A_0 = arith.constant 0 : index
    %get3A_1 = vector.load %arg1[%get3A, %get3A_0] : memref<2560x128xf32, #tpu.memory_space<vmem>>, vector<2560x128xf32>
    %custom_jvp_call3A = arith.constant 0.000000e+00 : f32
    %max3A = vector.broadcast %custom_jvp_call3A : f32 to vector<2560x128xf32>
    %max3A_2 = arith.maximumf %get3A_1, %max3A : vector<2560x128xf32>
    %sub3A = vector.broadcast %custom_jvp_call3A : f32 to vector<2560x128xf32>
    %sub3A_3 = arith.subf %get3A_1, %sub3A : vector<2560x128xf32>
    %ne3A = arith.cmpf one, %sub3A_3, %sub3A_3 : vector<2560x128xf32>
    %add3A = vector.broadcast %custom_jvp_call3A : f32 to vector<2560x128xf32>
    %add3A_4 = arith.addf %get3A_1, %add3A : vector<2560x128xf32>
    %abs3A = math.absf %sub3A_3 : vector<2560x128xf32>
    %neg3A = arith.constant 0.000000e+00 : f32
    %neg3A_5 = vector.broadcast %neg3A : f32 to vector<2560x128xf32>
    %neg3A_6 = arith.subf %neg3A_5, %abs3A : vector<2560x128xf32>
    %exp3A = math.exp %neg3A_6 : vector<2560x128xf32>
    %log1p3A = math.log1p %exp3A : vector<2560x128xf32>
    %add3A_7 = arith.addf %max3A_2, %log1p3A : vector<2560x128xf32>
    %select_n3A = arith.select %ne3A, %add3A_4, %add3A_7 : vector<2560x128xi1>, vector<2560x128xf32>
    %tanh3A = math.tanh %select_n3A : vector<2560x128xf32>
    %mul3A = arith.mulf %get3A_1, %tanh3A : vector<2560x128xf32>
    %get3A_8 = arith.constant 0 : index
    %get3A_9 = arith.constant 0 : index
    %get3A_10 = vector.load %arg2[%get3A_8, %get3A_9] : memref<128x16xf32, #tpu.memory_space<vmem>>, vector<128x16xf32>
    %dot_general3A = arith.constant dense<0.000000e+00> : vector<2560x16xf32>
    %dot_general3A_11 = tpu.matmul %mul3A, %get3A_10, %dot_general3A {dimension_numbers = #tpu.dot_dimension_numbers<[1], [0], [0], [1], [0, 0, 1, 1], [], []>, transpose_lhs_hint = false} : vector<2560x128xf32>, vector<128x16xf32>, vector<2560x16xf32> -> vector<2560x16xf32>
    %iota3A = tpu.iota {dimensions = array<i32: 1>} : vector<2560x16xi32>
    %lt3A = arith.constant 4 : i32
    %lt3A_12 = vector.broadcast %lt3A : i32 to vector<2560x16xi32>
    %lt3A_13 = arith.cmpi slt, %iota3A, %lt3A_12 : vector<2560x16xi32>
    %convert_element_type3A = arith.extui %lt3A_13 : vector<2560x16xi1> to vector<2560x16xi32>
    %convert_element_type3A_14 = arith.sitofp %convert_element_type3A : vector<2560x16xi32> to vector<2560x16xf32>
    %exp3A_15 = math.exp %dot_general3A_11 : vector<2560x16xf32>
    %mul3A_16 = arith.mulf %exp3A_15, %convert_element_type3A_14 : vector<2560x16xf32>
    %swap3A = arith.constant 0 : index
    %swap3A_17 = arith.constant 0 : index
    %swap3A_18 = vector.load %arg3[%swap3A, %swap3A_17] : memref<2560x16xf32, #tpu.memory_space<vmem>>, vector<2560x16xf32>
    tpu.vector_store %arg3[%swap3A, %swap3A_17], %mul3A_16 {strides = array<i32>} : memref<2560x16xf32, #tpu.memory_space<vmem>>, vector<2560x16xf32>,
    return
  }
  func.func @transform_0(%arg0: i32) -> (i32, i32) {
    %c0_i32 = arith.constant 0 : i32
    %c0_i32_0 = arith.constant 0 : i32
    return %arg0, %c0_i32 : i32, i32
  }
  func.func @transform_1(%arg0: i32) -> (i32, i32) {
    %c0_i32 = arith.constant 0 : i32
    %c0_i32_0 = arith.constant 0 : i32
    %c0_i32_1 = arith.constant 0 : i32
    return %c0_i32, %c0_i32_0 : i32, i32
  }
  func.func @transform_2(%arg0: i32) -> (i32, i32) {
    %c0_i32 = arith.constant 0 : i32
    %c0_i32_0 = arith.constant 0 : i32
    return %arg0, %c0_i32 : i32, i32
  }
}

module attributes {stable_mosaic.version = 14 : i64} {
  func.func @_final_body(%arg0: i32, %arg1: memref<2x2000x128xf32, #tpu.memory_space<vmem>>, %arg2: memref<2x2000x128xf32, #tpu.memory_space<vmem>>, %arg3: memref<2000x128xf32, #tpu.memory_space<vmem>>) attributes {dimension_semantics = [#tpu.dimension_semantics<arbitrary>], iteration_bounds = array<i64: 5>, scalar_prefetch = 0 : i64, scratch_operands = 0 : i64, tpu.core_type = #tpu.core_type<tc>, window_params = [{transform_indices = @transform_0, window_bounds = array<i64: 2, 2000, 128>}, {transform_indices = @transform_1, window_bounds = array<i64: 2, 2000, 128>}, {transform_indices = @transform_2, window_bounds = array<i64: 2000, 128>}]} {
    %get3A = arith.constant 0 : index
    %get3A_0 = arith.constant 0 : index
    %get3A_1 = arith.constant 0 : index
    %get3A_2 = vector.load %arg1[%get3A, %get3A_0, %get3A_1] : memref<2x2000x128xf32, #tpu.memory_space<vmem>>, vector<2x2000x128xf32>
    %slice3A = vector.extract_strided_slice %get3A_2 {offsets = [0, 0, 0], sizes = [1, 2000, 128], strides = [1, 1, 1]} : vector<2x2000x128xf32> to vector<1x2000x128xf32>
    %squeeze3A = vector.shape_cast %slice3A : vector<1x2000x128xf32> to vector<2000x128xf32>
    %slice3A_3 = vector.extract_strided_slice %get3A_2 {offsets = [1, 0, 0], sizes = [1, 2000, 128], strides = [1, 1, 1]} : vector<2x2000x128xf32> to vector<1x2000x128xf32>
    %squeeze3A_4 = vector.shape_cast %slice3A_3 : vector<1x2000x128xf32> to vector<2000x128xf32>
    %add3A = arith.addf %squeeze3A, %squeeze3A_4 : vector<2000x128xf32>
    %get3A_5 = arith.constant 0 : index
    %get3A_6 = arith.constant 0 : index
    %get3A_7 = arith.constant 0 : index
    %get3A_8 = vector.load %arg2[%get3A_5, %get3A_6, %get3A_7] : memref<2x2000x128xf32, #tpu.memory_space<vmem>>, vector<2x2000x128xf32>
    %slice3A_9 = vector.extract_strided_slice %get3A_8 {offsets = [0, 0, 0], sizes = [1, 2000, 128], strides = [1, 1, 1]} : vector<2x2000x128xf32> to vector<1x2000x128xf32>
    %squeeze3A_10 = vector.shape_cast %slice3A_9 : vector<1x2000x128xf32> to vector<2000x128xf32>
    %slice3A_11 = vector.extract_strided_slice %get3A_8 {offsets = [1, 0, 0], sizes = [1, 2000, 128], strides = [1, 1, 1]} : vector<2x2000x128xf32> to vector<1x2000x128xf32>
    %squeeze3A_12 = vector.shape_cast %slice3A_11 : vector<1x2000x128xf32> to vector<2000x128xf32>
    %add3A_13 = arith.addf %squeeze3A_10, %squeeze3A_12 : vector<2000x128xf32>
    %slice3A_14 = vector.extract_strided_slice %add3A_13 {offsets = [0, 0], sizes = [2000, 4], strides = [1, 1]} : vector<2000x128xf32> to vector<2000x4xf32>
    %iota3A = tpu.iota {dimensions = array<i32: 0>} : vector<4x128xi32>
    %iota3A_15 = tpu.iota {dimensions = array<i32: 1>} : vector<4x128xi32>
    %jit3A = arith.constant 32 : i32
    %div3A = vector.broadcast %jit3A : i32 to vector<4x128xi32>
    %div3A_16 = arith.divsi %iota3A_15, %div3A : vector<4x128xi32>
    %sign3A = arith.constant 0 : i32
    %sign3A_17 = vector.broadcast %sign3A : i32 to vector<4x128xi32>
    %sign3A_18 = arith.cmpi sgt, %iota3A_15, %sign3A_17 : vector<4x128xi32>
    %sign3A_19 = arith.extui %sign3A_18 : vector<4x128xi1> to vector<4x128xi32>
    %sign3A_20 = arith.constant 0 : i32
    %sign3A_21 = vector.broadcast %sign3A_20 : i32 to vector<4x128xi32>
    %sign3A_22 = arith.cmpi slt, %iota3A_15, %sign3A_21 : vector<4x128xi32>
    %sign3A_23 = arith.extui %sign3A_22 : vector<4x128xi1> to vector<4x128xi32>
    %sign3A_24 = arith.subi %sign3A_19, %sign3A_23 : vector<4x128xi32>
    %sign3A_25 = arith.constant 0 : i32
    %sign3A_26 = arith.cmpi sgt, %jit3A, %sign3A_25 : i32
    %sign3A_27 = arith.extui %sign3A_26 : i1 to i32
    %sign3A_28 = arith.constant 0 : i32
    %sign3A_29 = arith.cmpi slt, %jit3A, %sign3A_28 : i32
    %sign3A_30 = arith.extui %sign3A_29 : i1 to i32
    %sign3A_31 = arith.subi %sign3A_27, %sign3A_30 : i32
    %ne3A = vector.broadcast %sign3A_31 : i32 to vector<4x128xi32>
    %ne3A_32 = arith.cmpi ne, %sign3A_24, %ne3A : vector<4x128xi32>
    %rem3A = vector.broadcast %jit3A : i32 to vector<4x128xi32>
    %rem3A_33 = arith.remsi %iota3A_15, %rem3A : vector<4x128xi32>
    %ne3A_34 = arith.constant 0 : i32
    %ne3A_35 = vector.broadcast %ne3A_34 : i32 to vector<4x128xi32>
    %ne3A_36 = arith.cmpi ne, %rem3A_33, %ne3A_35 : vector<4x128xi32>
    %and3A = arith.andi %ne3A_32, %ne3A_36 : vector<4x128xi1>
    %sub3A = arith.constant 1 : i32
    %sub3A_37 = vector.broadcast %sub3A : i32 to vector<4x128xi32>
    %sub3A_38 = arith.subi %div3A_16, %sub3A_37 : vector<4x128xi32>
    %select_n3A = arith.select %and3A, %sub3A_38, %div3A_16 : vector<4x128xi1>, vector<4x128xi32>
    %eq3A = arith.cmpi eq, %select_n3A, %iota3A : vector<4x128xi32>
    %convert_element_type3A = arith.extui %eq3A : vector<4x128xi1> to vector<4x128xi32>
    %convert_element_type3A_39 = arith.sitofp %convert_element_type3A : vector<4x128xi32> to vector<4x128xf32>
    %dot_general3A = arith.constant dense<0.000000e+00> : vector<2000x128xf32>
    %dot_general3A_40 = tpu.matmul %slice3A_14, %convert_element_type3A_39, %dot_general3A {dimension_numbers = #tpu.dot_dimension_numbers<[1], [0], [0], [1], [0, 0, 1, 1], [], []>, transpose_lhs_hint = false} : vector<2000x4xf32>, vector<4x128xf32>, vector<2000x128xf32> -> vector<2000x128xf32>
    %max3A = arith.constant 9.99999991E-38 : f32
    %max3A_41 = vector.broadcast %max3A : f32 to vector<2000x128xf32>
    %max3A_42 = arith.maximumf %dot_general3A_40, %max3A_41 : vector<2000x128xf32>
    %div3A_43 = arith.divf %add3A, %max3A_42 : vector<2000x128xf32>
    %swap3A = arith.constant 0 : index
    %swap3A_44 = arith.constant 0 : index
    %swap3A_45 = vector.load %arg3[%swap3A, %swap3A_44] : memref<2000x128xf32, #tpu.memory_space<vmem>>, vector<2000x128xf32>
    tpu.vector_store %arg3[%swap3A, %swap3A_44], %div3A_43 {strides = array<i32>} : memref<2000x128xf32, #tpu.memory_space<vmem>>, vector<2000x128xf32>,
    return
  }
  func.func @transform_0(%arg0: i32) -> (i32, i32, i32) {
    %c0_i32 = arith.constant 0 : i32
    %c0_i32_0 = arith.constant 0 : i32
    %c0_i32_1 = arith.constant 0 : i32
    return %c0_i32, %arg0, %c0_i32_0 : i32, i32, i32
  }
  func.func @transform_1(%arg0: i32) -> (i32, i32, i32) {
    %c0_i32 = arith.constant 0 : i32
    %c0_i32_0 = arith.constant 0 : i32
    %c0_i32_1 = arith.constant 0 : i32
    return %c0_i32, %arg0, %c0_i32_0 : i32, i32, i32
  }
  func.func @transform_2(%arg0: i32) -> (i32, i32) {
    %c0_i32 = arith.constant 0 : i32
    %c0_i32_0 = arith.constant 0 : i32
    return %arg0, %c0_i32 : i32, i32
  }
}

</mosaic_0001>

<sc_bundles>
// kernel: kernel.11.cloned.1.call-start
scs
__scs_entry_jumppad:
0x0: {  	(pc) =	sbr.rel $0x88, $3  }
0x1: {  	(tag) =	ssettag $0x0;
	lr =	simm.s32 $0x1  }
0x2: {  	[smem:$0x3F99] =	sst lr;
	_ =	strace $0xD0000000  }
0x3: {  	_ = 	snop  }
0x4: {  	_ = 	snop  }
0x5: {  	_ = 	snop  }
0x6: {  	_ = 	snop  }
0x7: {  	_ = 	snop  }
__scs_overlays_trampoline_lowered:
0x8: {  	[smem:$0x3FA8] =	sst s0  }
0x9: {  	[smem:$0x3FA9] =	sst s1  }
0xa: {  	[smem:$0x3FAA] =	sst s2  }
0xb: {  	[smem:$0x3FAB] =	sst s3  }
0xc: {  	[smem:$0x3FAC] =	sst s4  }
0xd: {  	[smem:$0x3FAD] =	sst s5  }
0xe: {  	[smem:$0x3FAE] =	sst s6  }
0xf: {  	[smem:$0x3FAF] =	sst s7  }
0x10: {  	[smem:$0x3FB0] =	sst s8  }
0x11: {  	[smem:$0x3FB1] =	sst s9;
	s0 =	simm.s32 @!p0 $0x0  }
0x12: {  	s1 =	sld [smem:$0x3F97];
	s0 =	simm.s32 @p0 $0x1  }
0x13: {  	[smem:$0x3FB2] =	sst s0;
	s0 =	simm.s32 @!p1 $0x0  }
0x14: {  	s2 =	sld [smem:$0x3F96];
	s0 =	simm.s32 @p1 $0x1  }
0x15: {  	[smem:$0x3FB3] =	sst s0;
	s0 =	simm.s32 @!p2 $0x0  }
0x16: {  	s3 =	sld [smem:$0x3FDB];
	s0 =	simm.s32 @p2 $0x1  }
0x17: {  	s4 =	simm.s32 $0x1BF5;
	[smem:$0x3FB5] =	sst s0  }
0x18: {  	s0 =	sld [smem:$0x3F98];
	_ =	swait.ge [sflag:s4], $0x0  }
0x19: {  	s7 =	sld [smem:$0x3F99]  }
0x1a: {  	s8 =	sadd.s32 $0xFFFFE003, lr  }
0x1b: {  	s9 =	sadd.s32 $0xFFFFFEF7, lr;
	s5 =	simm.s32 $0xFFFFFFFF;
	p2 =	slt.u32 s8, $0xFFFFF086  }
0x1c: {  	p1 =	slt.u32 s9, $0xF7A;
	s5 =	simm.s32 @!p2 $0x0  }
0x1d: {  	s5 =	simm.s32 @p1 $0x1;
	p0 =	seq.s32 s7, s2  }
0x1e: {  	s7 =	smul.u32 @!p0 $0xF7A, s2;
	p2 =	seq.s32 @!p0 s5, $0x0  }
0x1f: {  	s9 =	smul.u32 $0xF7A, s1;
	s8 =	simm.s32 @!p0 $0x1BF5;
	p2 =	por !p2, p0  }
0x20: {  	[sflag:s8] =	ssyncset.s32 @!p0 $0xFFFFF086;
	s6 =	sadd.s32 @!p0 s3, s7;
	s7 =	simm.s32 @!p0 $0x108  }
0x21: {  	s3 =	sadd.s32 s3, s9;
	s6 =	sadd.s32 @!p0 $0x88, s6;
	s7 =	simm.s32 @p2 $0x1082  }
0x22: {  	[simem:s7], [sflag:s8] =	dma.local @!p0 [hbm:s6], $0xF7A  }
0x23: {  	s9 =	sor.u32 $0xD0000000, s2;
	s6 =	simm.s32 $0x108;
	_ =	swait.ge @!p0 [sflag:s8], $0x0  }
0x24: {  	s3 =	sadd.s32 $0x88, s3;
	s6 =	simm.s32 @!p1 $0x1082;
	[sflag:s4] =	ssyncset.s32 $0xFFFFF086  }
0x25: {  	[simem:s6], [sflag:s4] =	dma.local [hbm:s3], $0xF7A  }
0x26: {  	[smem:$0x3F99] =	sst s1;
	(tag) =	ssettag s2;
	_ =	strace s9  }
0x27: {  	s1 =	sld [smem:$0x3FA9]  }
0x28: {  	s2 =	sld [smem:$0x3FAA]  }
0x29: {  	s4 =	sld [smem:$0x3FAC]  }
0x2a: {  	p0 =	seq.s32 s5, $0x0;
	s5 =	sld [smem:$0x3FAD]  }
0x2b: {  	s6 =	sld [smem:$0x3FAE]  }
0x2c: {  	s7 =	sld [smem:$0x3FAF]  }
0x2d: {  	s3 =	simm.s32 $0x108;
	s8 =	sld [smem:$0x3FB0]  }
0x2e: {  	s3 =	simm.s32 @!p0 $0x1082;
	s9 =	sld [smem:$0x3FB1]  }
0x2f: {  	lr =	sadd.s32 s0, s3;
	s0 =	sld [smem:$0x3FA8]  }
0x30: {  	s3 =	sld [smem:$0x3FAB]  }
0x31: {  	[smem:$0x3FB4] =	sst s10  }
0x32: {  	s10 =	sld [smem:$0x3FB2];
	_ =	sdelay $0x3  }
0x33: {  	p0 =	seq.s32 s10, $0x1;
	s10 =	sld [smem:$0x3FB4];
	_ =	sdelay $0x3  }
0x34: {  	[smem:$0x3FB4] =	sst s10  }
0x35: {  	s10 =	sld [smem:$0x3FB3];
	_ =	sdelay $0x3  }
0x36: {  	p1 =	seq.s32 s10, $0x1;
	s10 =	sld [smem:$0x3FB4];
	_ =	sdelay $0x3  }
0x37: {  	[smem:$0x3FB4] =	sst s10  }
0x38: {  	s10 =	sld [smem:$0x3FB5]  }
0x39: {  	_ = 	snop;
	(pc) =	sbr.ind lr, $3  }
0x3a: {  	_ = 	snop  }
0x3b: {  	_ = 	snop  }
0x3c: {  	p2 =	seq.s32 s10, $0x1;
	s10 =	sld [smem:$0x3FB4]  }
0x3d: {  	_ =	shalt  }
0x3e: {  	_ =	shalt  }
0x3f: {  	_ =	shalt  }
0x40: {  	_ =	shalt  }
0x41: {  	_ =	shalt  }
0x42: {  	_ =	shalt  }
0x43: {  	_ =	shalt  }
0x44: {  	_ =	shalt  }
0x45: {  	_ =	shalt  }
0x46: {  	_ =	shalt  }
0x47: {  	_ =	shalt  }
0x48: {  	_ =	shalt  }
0x49: {  	_ =	shalt  }
0x4a: {  	_ =	shalt  }
0x4b: {  	_ =	shalt  }
0x4c: {  	_ =	shalt  }
0x4d: {  	_ =	shalt  }
0x4e: {  	_ =	shalt  }
0x4f: {  	_ =	shalt  }
0x50: {  	_ =	shalt  }
0x51: {  	_ =	shalt  }
0x52: {  	_ =	shalt  }
0x53: {  	_ =	shalt  }
0x54: {  	_ =	shalt  }
0x55: {  	_ =	shalt  }
0x56: {  	_ =	shalt  }
0x57: {  	_ =	shalt  }
0x58: {  	_ =	shalt  }
0x59: {  	_ =	shalt  }
0x5a: {  	_ =	shalt  }
0x5b: {  	_ =	shalt  }
0x5c: {  	_ =	shalt  }
0x5d: {  	_ =	shalt  }
0x5e: {  	_ =	shalt  }
0x5f: {  	_ =	shalt  }
0x60: {  	_ =	shalt  }
0x61: {  	_ =	shalt  }
0x62: {  	_ =	shalt  }
0x63: {  	_ =	shalt  }
0x64: {  	_ =	shalt  }
0x65: {  	_ =	shalt  }
0x66: {  	_ =	shalt  }
0x67: {  	_ =	shalt  }
0x68: {  	_ =	shalt  }
0x69: {  	_ =	shalt  }
0x6a: {  	_ =	shalt  }
0x6b: {  	_ =	shalt  }
0x6c: {  	_ =	shalt  }
0x6d: {  	_ =	shalt  }
0x6e: {  	_ =	shalt  }
0x6f: {  	_ =	shalt  }
0x70: {  	_ =	shalt  }
0x71: {  	_ =	shalt  }
0x72: {  	_ =	shalt  }
0x73: {  	_ =	shalt  }
0x74: {  	_ =	shalt  }
0x75: {  	_ =	shalt  }
0x76: {  	_ =	shalt  }
0x77: {  	_ =	shalt  }
0x78: {  	_ =	shalt  }
0x79: {  	_ =	shalt  }
0x7a: {  	_ =	shalt  }
0x7b: {  	_ =	shalt  }
0x7c: {  	_ =	shalt  }
0x7d: {  	_ =	shalt  }
0x7e: {  	_ =	shalt  }
0x7f: {  	_ =	shalt  }
0x80: {  	_ =	shalt  }
0x81: {  	_ =	shalt  }
0x82: {  	_ =	shalt  }
0x83: {  	_ =	shalt  }
0x84: {  	_ =	shalt  }
0x85: {  	_ =	shalt  }
0x86: {  	_ =	shalt  }
0x87: {  	_ =	shalt  }
.Lfunc_end0:
.L_simem_size_0:
called_computation.1_lowered:
.L_overlay_start_0:
0x88: {  	s2 =	sld [smem:$0x3FD9]  }
0x89: {  	s3 =	sld [smem:$0x3FFE];
	_ =	sdelay $0x1  }
0x8a: {  	s1 =	srdreg.scid  }
0x8b: {  	s0 =	sand.u32 $0x1, s1  }
0x8c: {  	s17 =	sshll.u32 s0, $0xA;
	s2 =	sadd.s32 s3, s2  }
0x8d: {  	s2 =	sadd.s32 s2, s17  }
0x8e: {  	[smem:$0x3FC0] =	sst s2  }
0x8f: {  	_ = 	snop  }
0x90: {  	s2 =	sld [smem:$0x3FC7];
	(tm) =	ssettm $0x1  }
0x91: {  	s18 =	sld [smem:$0x3FFB];
	_ =	sdelay $0x3  }
0x92: {  	_ =	strace s18  }
0x93: {  	s3 =	sld [smem:$0x3FFC];
	_ =	sdelay $0x3  }
0x94: {  	_ =	strace s3  }
0x95: {  	s3 =	sld [smem:$0x3FFD];
	_ =	sdelay $0x3  }
0x96: {  	_ =	strace s3  }
0x97: {  	_ =	strace $0x8FFFFFFF  }
0x98: {  	s19 =	sld [smem:$0x3FDB];
	_ =	sdelay $0x1  }
0x99: {  	s4 =	simm.s32 $_scs_section_size  }
0x9a: {  	s5 =	simm.s32 $_size__tile_overlayer_lowered;
	s6 =	simm.s32 $_tile_overlayer_lowered  }
0x9b: {  	s22 =	simm.s32 $0x1BFF;
	s21 =	sshll.u32 s6, $0x1;
	s3 =	sadd.s32 s4, s19  }
0x9c: {  	s7 =	simm.s32 $0x0;
	s20 =	sshll.u32 s5, $0x1;
	s5 =	sadd.s32 s21, s3  }
0x9d: {  	[timem:s7], [sflag:s22] =	dma.local [hbm:s5], s20  }
0x9e: {  	_ =	swait.ge [sflag:s22], s20  }
0x9f: {  	s4 =	ssub.s32 $0x0, s20;
	[sflag:s22] =	ssyncset.done $0x0  }
0xa0: {  	[sflag:s22] =	ssyncadd.s32 s4;
	_ =	sdelay $0x1  }
0xa1: {  	s23 =	simm.s32 $0x1B8B  }
0xa2: {  	_ =	swait.ge [sflag:s23], $0x1  }
0xa3: {  	[sflag:s23] =	ssyncset.done $0x0  }
0xa4: {  	s25 =	simm.s32 $0x1B8E;
	s24 =	sld [smem:$0x3FFE];
	[sflag:s23] =	ssyncadd.s32 $0xFFFFFFFF  }
0xa5: {  	s26 =	simm.s32 $execute0_lowered;
	[smem:$0x3FD2] =	sst s25  }
0xa6: {  	s5 =	sshll.u32 s26, $0x1;
	_ =	strace $0x80000049;
	[dreg:$0x1] =	wrdreg $0xFFFFFFFF  }
0xa7: {  	s28 =	simm.s32 $_size_execute0_lowered;
	s3 =	sadd.s32 s3, s5;
	[dreg:$0x0] =	wrdreg $0x0  }
0xa8: {  	s5 =	sshll.u32 s28, $0x1;
	[dreg:$0x2] =	wrdreg s3  }
0xa9: {  	[dreg:$0x3] =	wrdreg s5  }
0xaa: {  	[dreg:$0x4] =	wrdreg $0xC0  }
0xab: {  	_ =	task [dreg:s7], $0x5FFFF  }
0xac: {  	[dreg:$0x1] =	wrdreg $0xFFFFFFFF  }
0xad: {  	[dreg:$0x0] =	wrdreg $0x60  }
0xae: {  	[dreg:$0x2] =	wrdreg s2  }
0xaf: {  	[dreg:$0x3] =	wrdreg s24  }
0xb0: {  	[dreg:$0x4] =	wrdreg $0x80800  }
0xb1: {  	[dreg:$0x5] =	wrdreg $0x9  }
0xb2: {  	_ =	task.clear_ibuf [dreg:s7], $0x6FFFF;
	_ =	strace $0x90000049  }
0xb3: {  	s29 =	simm.s32 $0x9;
	_ =	strace $0x8000004B  }
0xb4: {  	_ =	swait.ge [sflag:s29], $0x1  }
0xb5: {  	[sflag:s29] =	ssyncadd.s32 $0xFFFFFFFF  }
0xb6: {  	_ =	strace $0x9000004B  }
0xb7: {  	_ =	sfence  }
0xb8: {  	s30 =	sld [smem:$0x0];
	_ =	sdelay $0x2  }
0xb9: {  	s31 =	sshll.u32 s1, $0xD;
	s1 =	sshrl.u32 s1, $0x2  }
0xba: {  	s3 =	sand.u32 $0x4000, s31;
	s1 =	sadd.s32 s1, s30  }
0xbb: {  	s0 =	sor.u32 s3, s0;
	s1 =	sshll.u32 s1, $0x11  }
0xbc: {  	s0 =	sor.u32 s1, s0  }
0xbd: {  	s0 =	sadd.s32 $0x8F2B, s0  }
0xbe: {  	[sflag:s0] =	ssyncadd.remote.s32 $0x1  }
0xbf: {  	_ =	sfence.sel $0xFFFF  }
0xc0: {  	[dreg:$0x0] =	wrdreg $0xFFFFFFFF;
	(pc) =	sbr.abs _section_cstart, $3  }
0xc1: {  	[dreg:$0x1] =	wrdreg $0xFFFFFFFF  }
0xc2: {  	_ =	task.clear_ibuf [dreg:s7], $0x2FFFF;
	_ =	strace $0x9FFFFFFF  }
0xc3: {  	(tm) =	ssettm $0x7FFFFFFF  }
tec
execute0_lowered:
.L_overlay_start_1:
0x0: {  	(tag) =	ssettag $0x1  }
0x1: {  	s1 =	rddreg [dreg:$0x0]  }
0x2: {  	s7 =	rddreg [dreg:$0x1]  }
0x3: {  	s2 =	rddreg [dreg:$0x2]  }
0x4: {  	s0 =	rddreg [dreg:$0x3];
	s3 =	simm.s32 $0x0  }
0x5: {  	s4 =	srdreg.scid;
	s5 =	stileid.u32;
	s15 =	simm.s32 $0x80  }
0x6: {  	s18 =	simm.s32 $0x0;
	s22 =	simm.s32 $0x0;
	[smem:$0x7FF] =	sst s3  }
0x7: {  	s4 =	sand.u32 $0x1, s4;
	s6 =	sadd.s32 $0x50AC00, s7;
	s11 =	smul.u32 $0x13800, s5  }
0x8: {  	s12 =	sadd.s32 $0x1A00, s7;
	s30 =	smul.u32 $0x4E000, s5;
	s7 =	sshll.u32 s5, $0x1  }
0x9: {  	s16 =	sadd.s32 $0x124800, s2;
	p0 =	sne.s32 s5, $0x0;
	s8 =	ssub.s32 $0x2, s4  }
0xa: {  	p1 =	seq.s32 s5, $0xF;
	s9 =	smul.u32 $0x138800, s4;
	s10 =	sshrl.u32 s8, $0x1  }
0xb: {  	_ =	strace $0x8000004A;
	s16 =	sshrl.u32 @p1 s16, $0x3;
	s13 =	ssub.s32 s8, s10  }
.Ltmp0:
0xc: {  	s8 =	sadd.s32 $0x138000, s2;
	s11 =	sadd.s32 s11, s9;
	(pc) =	sbr.rel .LBB2_1-.Ltmp0, $4  }
0xd: {  	s10 =	sshrl.u32 s30, $0x2;
	s14 =	sshrl.u32 s9, $0x3;
	s11 =	sshrl.u32 s11, $0x3  }
0xe: {  	s17 =	sadd.s32 s10, s2;
	s31 =	sadd.s32 s12, s14;
	s14 =	simm.s32 $0x2  }
0xf: {  	s9 =	sadd.s32 s12, s11;
	s10 =	sadd.s32 $0x24900, s31;
	s11 =	smax.u32 s13, $0x1  }
0x10: {  	v0 =	vimm.f32 $0.0e+00;
	s12 =	simm.s32 $0x4080;
	s13 =	simm.s32 $0x1;
	s17 =	sshrl.u32 @!p1 s17, $0x3  }
.LBB2_13:
0x11: {  	[bflag:$0x0] =	sbarrier.arrive $0xFFFF;
	s19 =	simm.s32 @p1 $0x1FC1  }
0x12: {  	[hbm:s10], [sflag:s19] =	dma.local @p1 [spmem:s16], $0x2800  }
0x13: {  	s19 =	simm.s32 @p1 $0x1  }
0x14: {  	_ =	swait.ge @p1 [sflag:s19], $0x2800  }
0x15: {  	s20 =	sshll.u32 @!p1 s5, $0x6;
	s18 =	sadd.s32 $0x1, s18;
	[sflag:s19] =	ssyncset.done @p1 $0x0  }
0x16: {  	p2 =	sne.s32 s18, s11;
	[sflag:s19] =	ssyncadd.s32 @p1 $0xFFFFD800;
	s19 =	sor.u32 @!p1 $0x1C01, s20  }
0x17: {  	[hbm:s9], [sflag:s19] =	dma.local @!p1 [spmem:s17], $0x2700  }
.Ltmp1:
0x18: {  	_ = 	snop;
	(pc) =	sbr.rel @!p2 .LBB2_14-.Ltmp1, $4  }
0x19: {  	s19 =	simm.s32 @!p1 $0x1  }
0x1a: {  	_ =	swait.ge @!p1 [sflag:s19], $0x2700  }
0x1b: {  	[sflag:s19] =	ssyncset.done @!p1 $0x0  }
0x1c: {  	[sflag:s19] =	ssyncadd.s32 @!p1 $0xFFFFD900  }
.LBB2_1:
0x1d: {  	s19 =	simm.s32 $0x0;
	s20 =	simm.s32 $0x200  }
.LBB2_2:
0x1e: {  	p2 =	sne.s32 s20, $0xFE00;
	[tilespmem:s19+$0x40F0] =	vst v0  }
0x1f: {  	[tilespmem:s19+$0x4080] =	vst v0  }
0x20: {  	[tilespmem:s19+$0x4090] =	vst v0  }
.Ltmp2:
0x21: {  	[tilespmem:s19+$0x40A0] =	vst v0;
	(pc) =	sbr.rel @p2 .LBB2_2-.Ltmp2, $4  }
0x22: {  	[tilespmem:s19+$0x40B0] =	vst v0  }
0x23: {  	[tilespmem:s19+$0x40C0] =	vst v0  }
0x24: {  	[tilespmem:s19+$0x40D0] =	vst v0  }
0x25: {  	[tilespmem:s19+$0x40E0] =	vst v0;
	s19 =	sshra.s32 s20, $0x2;
	s20 =	sadd.s32 $0x200, s20  }
0x26: {  	[tilespmem:s19+$0x40F0] =	vst v0  }
0x27: {  	[tilespmem:s19+$0x4080] =	vst v0  }
0x28: {  	[tilespmem:s19+$0x4090] =	vst v0  }
.Ltmp3:
0x29: {  	[tilespmem:s19+$0x40A0] =	vst v0;
	(pc) =	sbr.rel @p0 .LBB2_7-.Ltmp3, $4  }
0x2a: {  	[tilespmem:s19+$0x40B0] =	vst v0  }
0x2b: {  	[tilespmem:s19+$0x40C0] =	vst v0  }
0x2c: {  	[tilespmem:s19+$0x40D0] =	vst v0  }
0x2d: {  	[tilespmem:s19+$0x40E0] =	vst v0  }
0x2e: {  	s19 =	sadd.s32 $0x0, s2  }
0x2f: {  	[spmem:s19] =	stream.linear.scatter [tilespmem:s12], [sflag:$0x1], $0x4000, $0x38;
	[tilespmem:$0x1B900] =	vst v63  }
0x30: {  	s19 =	simm.s32 $0x10000;
	_ =	swait.ge [sflag:s13], $0x4000  }
.LBB2_5:
0x31: {  	s20 =	sshra.s32 s19, $0x2;
	[sflag:s13] =	ssyncset.done $0x0;
	p2 =	sne.s32 s19, $0x4D0000  }
.Ltmp4:
0x32: {  	s20 =	sadd.s32 s20, s2;
	[sflag:s13] =	ssyncadd.s32 $0xFFFFC000;
	(pc) =	sbr.rel @p2 .LBB2_5-.Ltmp4, $3  }
0x33: {  	[spmem:s20] =	stream.linear.scatter [tilespmem:s12], [sflag:$0x1], $0x4000, $0x38;
	[tilespmem:$0x1B900] =	vst v63  }
0x34: {  	s19 =	sadd.s32 $0x10000, s19;
	_ =	sdelay $0x1  }
0x35: {  	_ =	swait.ge [sflag:s13], $0x4000  }
0x36: {  	[sflag:s13] =	ssyncset.done $0x0  }
0x37: {  	[sflag:s13] =	ssyncadd.s32 $0xFFFFC000  }
0x38: {  	[spmem:s8] =	stream.linear.scatter [tilespmem:s12], [sflag:$0x1], $0x800, $0x38;
	[tilespmem:$0x1B900] =	vst v63  }
0x39: {  	_ =	swait.ge [sflag:s13], $0x800  }
0x3a: {  	[sflag:s13] =	ssyncset.done $0x0  }
0x3b: {  	[sflag:s13] =	ssyncadd.s32 $0xFFFFF800  }
.LBB2_7:
.Ltmp5:
0x3c: {  	(pc) =	sbr.rel .LBB2_8-.Ltmp5, $3  }
0x3d: {  	_ =	sdelay $0x1  }
0x3e: {  	[bflag:$0x0] =	sbarrier.arrive $0xFFFF  }
0x3f: {  	s19 =	simm.s32 $0x0  }
.LBB2_12:
0x40: {  	s19 =	sadd.s32 $0x1, s19  }
0x41: {  	p2 =	sne.s32 s19, $0x4F  }
.Ltmp6:
0x42: {  	_ = 	snop;
	(pc) =	sbr.rel @!p2 .LBB2_13-.Ltmp6, $1  }
0x43: {  	_ =	sdelay $0x3  }
.LBB2_8:
0x44: {  	s20 =	sshll.u32 s19, $0x5  }
0x45: {  	s20 =	sor.u32 s7, s20  }
0x46: {  	p2 =	sgt.u32 s20, $0x9C3  }
.Ltmp7:
0x47: {  	_ = 	snop;
	(pc) =	sbr.rel @p2 .LBB2_12-.Ltmp7, $1  }
0x48: {  	_ =	sdelay $0x3  }
0x49: {  	s20 =	sor.u32 s4, s20  }
0x4a: {  	s21 =	sshll.u32 s20, $0x4  }
0x4b: {  	s21 =	sadd.s32 s1, s21  }
0x4c: {  	[tilespmem:s22], [sflag:$0x2] =	stream.linear.gather [hbm4b:s21+s22], $0x80, $0x38;
	[tilespmem:$0x1B900] =	vst v63  }
0x4d: {  	_ =	swait.ge [sflag:s14], $0x80  }
0x4e: {  	s20 =	sshll.u32 s20, $0xB;
	[sflag:s14] =	ssyncset.done $0x0  }
0x4f: {  	s20 =	sadd.s32 s6, s20;
	[sflag:s14] =	ssyncadd.s32 $0xFFFFFF80  }
0x50: {  	[tilespmem:s15], [sflag:$0x2] =	stream.linear.gather [hbm4b:s20+s22], $0x4000, $0x38;
	[tilespmem:$0x1B900] =	vst v63  }
0x51: {  	_ =	swait.ge [sflag:s14], $0x4000  }
0x52: {  	[sflag:s14] =	ssyncset.done $0x0  }
0x53: {  	s20 =	simm.s32 $0x0;
	[sflag:s14] =	ssyncadd.s32 $0xFFFFC000  }
0x54: {  	s21 =	simm.s32 $0x200;
	v1 =	vld [tilespmem:s20+$0x80]  }
.LBB2_10:
0x55: {  	p2 =	sne.s32 s21, $0xFE00  }
.Ltmp8:
0x56: {  	_ = 	snop;
	(pc) =	sbr.rel @p2 .LBB2_10-.Ltmp8, $3  }
0x57: {  	_ =	sdelay $0x1  }
0x58: {  	[tilespmem:s20+$0x4080] =	vst v1;
	s20 =	sshra.s32 s21, $0x2;
	s21 =	sadd.s32 $0x200, s21  }
0x59: {  	v1 =	vld [tilespmem:s20+$0x80]  }
0x5a: {  	_ =	sdelay $0x3  }
.Ltmp9:
0x5b: {  	[tilespmem:s20+$0x4080] =	vst v1;
	(pc) =	sbr.rel .LBB2_12-.Ltmp9, $4  }
0x5c: {  	[spmem:s2] =	stream.indirect.scatter.add.f32 [tilespmem:s12], [sflag:$0x1], $0x80, s3, s15, $0xb8;
	[tilespmem:$0x1B900] =	vst v63  }
0x5d: {  	_ =	swait.ge [sflag:s13], $0x4000  }
0x5e: {  	[sflag:s13] =	ssyncset.done $0x0  }
0x5f: {  	[sflag:s13] =	ssyncadd.s32 $0xFFFFC000  }
.LBB2_14:
0x60: {  	_ =	sfence.sel $0x180000  }
0x61: {  	[bflag:$0x0] =	sbarrier.arrive $0xFFFF  }
0x62: {  	_ =	strace $0x9000004A  }
0x63: {  	s0 =	sadd.s32 @!p0 $0x100000, s0;
	[bflag:$0x2] =	sbarrier.arrive $0xFFFF  }
0x64: {  	[sflag:s0] =	ssyncadd.tile.s32 @!p0 $0x1;
	_ =	shalt  }
.Lfunc_end2:
_tile_overlayer_lowered:
.L_overlay_start_2:
0x65: {  	(tag) =	ssettag $0x2  }
0x66: {  	s0 =	rddreg [dreg:$0x0];
	s2 =	stileid.u32  }
0x67: {  	s1 =	rddreg [dreg:$0x1];
	p0 =	sne.s32 s2, $0x0  }
0x68: {  	s3 =	rddreg [dreg:$0x2];
	[bflag:$0x3] =	sbarrier.arrive $0xFFFF;
	s2 =	simm.s32 @!p0 $0x1C01  }
0x69: {  	[timem:s3], [sflag:s2] =	dma.local @!p0 [hbm:s0], s1  }
0x6a: {  	s0 =	simm.s32 @!p0 $0x1  }
0x6b: {  	_ =	swait.ge @!p0 [sflag:s0], s1  }
0x6c: {  	s1 =	ssub.s32 @!p0 $0x0, s1;
	[sflag:s0] =	ssyncset.done @!p0 $0x0  }
0x6d: {  	[sflag:s0] =	ssyncadd.s32 @!p0 s1  }
0x6e: {  	[bflag:$0x3] =	sbarrier.arrive $0xFFFF  }
0x6f: {  	_ =	shalt  }

// kernel: kernel.14.cloned.1.call-start
scs
__scs_entry_jumppad:
0x0: {  	(pc) =	sbr.rel $0x88, $3  }
0x1: {  	(tag) =	ssettag $0x0;
	lr =	simm.s32 $0x1  }
0x2: {  	[smem:$0x3F99] =	sst lr;
	_ =	strace $0xD0000000  }
0x3: {  	_ = 	snop  }
0x4: {  	_ = 	snop  }
0x5: {  	_ = 	snop  }
0x6: {  	_ = 	snop  }
0x7: {  	_ = 	snop  }
__scs_overlays_trampoline_lowered:
0x8: {  	[smem:$0x3FA8] =	sst s0  }
0x9: {  	[smem:$0x3FA9] =	sst s1  }
0xa: {  	[smem:$0x3FAA] =	sst s2  }
0xb: {  	[smem:$0x3FAB] =	sst s3  }
0xc: {  	[smem:$0x3FAC] =	sst s4  }
0xd: {  	[smem:$0x3FAD] =	sst s5  }
0xe: {  	[smem:$0x3FAE] =	sst s6  }
0xf: {  	[smem:$0x3FAF] =	sst s7  }
0x10: {  	[smem:$0x3FB0] =	sst s8  }
0x11: {  	[smem:$0x3FB1] =	sst s9;
	s0 =	simm.s32 @!p0 $0x0  }
0x12: {  	s1 =	sld [smem:$0x3F97];
	s0 =	simm.s32 @p0 $0x1  }
0x13: {  	[smem:$0x3FB2] =	sst s0;
	s0 =	simm.s32 @!p1 $0x0  }
0x14: {  	s2 =	sld [smem:$0x3F96];
	s0 =	simm.s32 @p1 $0x1  }
0x15: {  	[smem:$0x3FB3] =	sst s0;
	s0 =	simm.s32 @!p2 $0x0  }
0x16: {  	s3 =	sld [smem:$0x3FDB];
	s0 =	simm.s32 @p2 $0x1  }
0x17: {  	s4 =	simm.s32 $0x1BF5;
	[smem:$0x3FB5] =	sst s0  }
0x18: {  	s0 =	sld [smem:$0x3F98];
	_ =	swait.ge [sflag:s4], $0x0  }
0x19: {  	s7 =	sld [smem:$0x3F99]  }
0x1a: {  	s8 =	sadd.s32 $0xFFFFE003, lr  }
0x1b: {  	s9 =	sadd.s32 $0xFFFFFEF7, lr;
	s5 =	simm.s32 $0xFFFFFFFF;
	p2 =	slt.u32 s8, $0xFFFFF086  }
0x1c: {  	p1 =	slt.u32 s9, $0xF7A;
	s5 =	simm.s32 @!p2 $0x0  }
0x1d: {  	s5 =	simm.s32 @p1 $0x1;
	p0 =	seq.s32 s7, s2  }
0x1e: {  	s7 =	smul.u32 @!p0 $0xF7A, s2;
	p2 =	seq.s32 @!p0 s5, $0x0  }
0x1f: {  	s9 =	smul.u32 $0xF7A, s1;
	s8 =	simm.s32 @!p0 $0x1BF5;
	p2 =	por !p2, p0  }
0x20: {  	[sflag:s8] =	ssyncset.s32 @!p0 $0xFFFFF086;
	s6 =	sadd.s32 @!p0 s3, s7;
	s7 =	simm.s32 @!p0 $0x108  }
0x21: {  	s3 =	sadd.s32 s3, s9;
	s6 =	sadd.s32 @!p0 $0x88, s6;
	s7 =	simm.s32 @p2 $0x1082  }
0x22: {  	[simem:s7], [sflag:s8] =	dma.local @!p0 [hbm:s6], $0xF7A  }
0x23: {  	s9 =	sor.u32 $0xD0000000, s2;
	s6 =	simm.s32 $0x108;
	_ =	swait.ge @!p0 [sflag:s8], $0x0  }
0x24: {  	s3 =	sadd.s32 $0x88, s3;
	s6 =	simm.s32 @!p1 $0x1082;
	[sflag:s4] =	ssyncset.s32 $0xFFFFF086  }
0x25: {  	[simem:s6], [sflag:s4] =	dma.local [hbm:s3], $0xF7A  }
0x26: {  	[smem:$0x3F99] =	sst s1;
	(tag) =	ssettag s2;
	_ =	strace s9  }
0x27: {  	s1 =	sld [smem:$0x3FA9]  }
0x28: {  	s2 =	sld [smem:$0x3FAA]  }
0x29: {  	s4 =	sld [smem:$0x3FAC]  }
0x2a: {  	p0 =	seq.s32 s5, $0x0;
	s5 =	sld [smem:$0x3FAD]  }
0x2b: {  	s6 =	sld [smem:$0x3FAE]  }
0x2c: {  	s7 =	sld [smem:$0x3FAF]  }
0x2d: {  	s3 =	simm.s32 $0x108;
	s8 =	sld [smem:$0x3FB0]  }
0x2e: {  	s3 =	simm.s32 @!p0 $0x1082;
	s9 =	sld [smem:$0x3FB1]  }
0x2f: {  	lr =	sadd.s32 s0, s3;
	s0 =	sld [smem:$0x3FA8]  }
0x30: {  	s3 =	sld [smem:$0x3FAB]  }
0x31: {  	[smem:$0x3FB4] =	sst s10  }
0x32: {  	s10 =	sld [smem:$0x3FB2];
	_ =	sdelay $0x3  }
0x33: {  	p0 =	seq.s32 s10, $0x1;
	s10 =	sld [smem:$0x3FB4];
	_ =	sdelay $0x3  }
0x34: {  	[smem:$0x3FB4] =	sst s10  }
0x35: {  	s10 =	sld [smem:$0x3FB3];
	_ =	sdelay $0x3  }
0x36: {  	p1 =	seq.s32 s10, $0x1;
	s10 =	sld [smem:$0x3FB4];
	_ =	sdelay $0x3  }
0x37: {  	[smem:$0x3FB4] =	sst s10  }
0x38: {  	s10 =	sld [smem:$0x3FB5]  }
0x39: {  	_ = 	snop;
	(pc) =	sbr.ind lr, $3  }
0x3a: {  	_ = 	snop  }
0x3b: {  	_ = 	snop  }
0x3c: {  	p2 =	seq.s32 s10, $0x1;
	s10 =	sld [smem:$0x3FB4]  }
0x3d: {  	_ =	shalt  }
0x3e: {  	_ =	shalt  }
0x3f: {  	_ =	shalt  }
0x40: {  	_ =	shalt  }
0x41: {  	_ =	shalt  }
0x42: {  	_ =	shalt  }
0x43: {  	_ =	shalt  }
0x44: {  	_ =	shalt  }
0x45: {  	_ =	shalt  }
0x46: {  	_ =	shalt  }
0x47: {  	_ =	shalt  }
0x48: {  	_ =	shalt  }
0x49: {  	_ =	shalt  }
0x4a: {  	_ =	shalt  }
0x4b: {  	_ =	shalt  }
0x4c: {  	_ =	shalt  }
0x4d: {  	_ =	shalt  }
0x4e: {  	_ =	shalt  }
0x4f: {  	_ =	shalt  }
0x50: {  	_ =	shalt  }
0x51: {  	_ =	shalt  }
0x52: {  	_ =	shalt  }
0x53: {  	_ =	shalt  }
0x54: {  	_ =	shalt  }
0x55: {  	_ =	shalt  }
0x56: {  	_ =	shalt  }
0x57: {  	_ =	shalt  }
0x58: {  	_ =	shalt  }
0x59: {  	_ =	shalt  }
0x5a: {  	_ =	shalt  }
0x5b: {  	_ =	shalt  }
0x5c: {  	_ =	shalt  }
0x5d: {  	_ =	shalt  }
0x5e: {  	_ =	shalt  }
0x5f: {  	_ =	shalt  }
0x60: {  	_ =	shalt  }
0x61: {  	_ =	shalt  }
0x62: {  	_ =	shalt  }
0x63: {  	_ =	shalt  }
0x64: {  	_ =	shalt  }
0x65: {  	_ =	shalt  }
0x66: {  	_ =	shalt  }
0x67: {  	_ =	shalt  }
0x68: {  	_ =	shalt  }
0x69: {  	_ =	shalt  }
0x6a: {  	_ =	shalt  }
0x6b: {  	_ =	shalt  }
0x6c: {  	_ =	shalt  }
0x6d: {  	_ =	shalt  }
0x6e: {  	_ =	shalt  }
0x6f: {  	_ =	shalt  }
0x70: {  	_ =	shalt  }
0x71: {  	_ =	shalt  }
0x72: {  	_ =	shalt  }
0x73: {  	_ =	shalt  }
0x74: {  	_ =	shalt  }
0x75: {  	_ =	shalt  }
0x76: {  	_ =	shalt  }
0x77: {  	_ =	shalt  }
0x78: {  	_ =	shalt  }
0x79: {  	_ =	shalt  }
0x7a: {  	_ =	shalt  }
0x7b: {  	_ =	shalt  }
0x7c: {  	_ =	shalt  }
0x7d: {  	_ =	shalt  }
0x7e: {  	_ =	shalt  }
0x7f: {  	_ =	shalt  }
0x80: {  	_ =	shalt  }
0x81: {  	_ =	shalt  }
0x82: {  	_ =	shalt  }
0x83: {  	_ =	shalt  }
0x84: {  	_ =	shalt  }
0x85: {  	_ =	shalt  }
0x86: {  	_ =	shalt  }
0x87: {  	_ =	shalt  }
.Lfunc_end0:
.L_simem_size_0:
called_computation.2_lowered:
.L_overlay_start_0:
0x88: {  	s2 =	sld [smem:$0x3FD9]  }
0x89: {  	s3 =	sld [smem:$0x3FFE];
	_ =	sdelay $0x1  }
0x8a: {  	s1 =	srdreg.scid  }
0x8b: {  	s0 =	sand.u32 $0x1, s1  }
0x8c: {  	s17 =	sshll.u32 s0, $0xA;
	s2 =	sadd.s32 s3, s2  }
0x8d: {  	s2 =	sadd.s32 s2, s17  }
0x8e: {  	[smem:$0x3FC0] =	sst s2  }
0x8f: {  	_ = 	snop  }
0x90: {  	s18 =	sld [smem:$0x3FC8]  }
0x91: {  	s4 =	sld [smem:$0x3FC7]  }
0x92: {  	s5 =	sld [smem:$0x3FD0];
	(tm) =	ssettm $0x1  }
0x93: {  	s19 =	sld [smem:$0x3FFB];
	_ =	sdelay $0x3  }
0x94: {  	_ =	strace s19  }
0x95: {  	s2 =	sld [smem:$0x3FFC];
	_ =	sdelay $0x3  }
0x96: {  	_ =	strace s2  }
0x97: {  	s2 =	sld [smem:$0x3FFD];
	_ =	sdelay $0x3  }
0x98: {  	_ =	strace s2  }
0x99: {  	_ =	strace $0x8FFFFFFF  }
0x9a: {  	s20 =	sld [smem:$0x3FDB];
	_ =	sdelay $0x1  }
0x9b: {  	s6 =	simm.s32 $_scs_section_size  }
0x9c: {  	s7 =	simm.s32 $_size__tile_overlayer_lowered;
	s8 =	simm.s32 $_tile_overlayer_lowered  }
0x9d: {  	s9 =	simm.s32 $0x1BFF;
	s21 =	sshll.u32 s8, $0x1;
	s6 =	sadd.s32 s6, s20  }
0x9e: {  	s22 =	simm.s32 $0x0;
	s7 =	sshll.u32 s7, $0x1;
	s8 =	sadd.s32 s21, s6  }
0x9f: {  	[timem:s22], [sflag:s9] =	dma.local [hbm:s8], s7  }
0xa0: {  	_ =	swait.ge [sflag:s9], s7  }
0xa1: {  	s7 =	ssub.s32 $0x0, s7;
	[sflag:s9] =	ssyncset.done $0x0  }
0xa2: {  	[sflag:s9] =	ssyncadd.s32 s7;
	_ =	sdelay $0x1  }
0xa3: {  	s23 =	simm.s32 $0x1B8B  }
0xa4: {  	_ =	swait.ge [sflag:s23], $0x1  }
0xa5: {  	[sflag:s23] =	ssyncset.done $0x0  }
0xa6: {  	[sflag:s23] =	ssyncadd.s32 $0xFFFFFFFF  }
0xa7: {  	s7 =	sld [smem:$0x0]  }
0xa8: {  	s8 =	sand.u32 $0xFFFFFFFE, s1  }
0xa9: {  	p0 =	sne.s32 s1, s8  }
0xaa: {  	s8 =	sshll.u32 @p0 s8, $0xE  }
0xab: {  	s8 =	sadd.s32 @p0 $0x11B8D, s8;
	s9 =	sshll.u32 @p0 s7, $0x11  }
0xac: {  	s8 =	sor.u32 @p0 s9, s8  }
0xad: {  	[sflag:s8] =	ssyncadd.remote.s32 @p0 $0x1;
	_ =	sdelay $0x1  }
0xae: {  	s8 =	simm.s32 @p0 $0x1B8D  }
0xaf: {  	_ =	swait.eq @p0 [sflag:s8], $0x1  }
0xb0: {  	[sflag:s8] =	ssyncadd.s32 @p0 $0xFFFFFFFF  }
0xb1: {  	s9 =	sshll.u32 @!p0 s1, $0xE  }
0xb2: {  	s9 =	sor.u32 @!p0 $0x4000, s9;
	s8 =	simm.s32 @!p0 $0x1B8D  }
0xb3: {  	s7 =	sshll.u32 @!p0 s7, $0x11;
	s9 =	sadd.s32 @!p0 $0x11B8D, s9;
	_ =	swait.eq @!p0 [sflag:s8], $0x1  }
0xb4: {  	s7 =	sor.u32 @!p0 s7, s9;
	[sflag:s8] =	ssyncadd.s32 @!p0 $0xFFFFFFFF  }
0xb5: {  	s25 =	simm.s32 $0x1B8E;
	s24 =	sld [smem:$0x3FFE];
	[sflag:s7] =	ssyncadd.remote.s32 @!p0 $0x1  }
0xb6: {  	s26 =	simm.s32 $execute0_lowered;
	[smem:$0x3FD2] =	sst s25  }
0xb7: {  	s8 =	sshll.u32 s26, $0x1;
	_ =	strace $0x8000004C;
	[dreg:$0x1] =	wrdreg $0xFFFFFFFF  }
0xb8: {  	s28 =	simm.s32 $_size_execute0_lowered;
	s6 =	sadd.s32 s6, s8;
	[dreg:$0x0] =	wrdreg $0x0  }
0xb9: {  	s8 =	sshll.u32 s28, $0x1;
	[dreg:$0x2] =	wrdreg s6  }
0xba: {  	[dreg:$0x3] =	wrdreg s8  }
0xbb: {  	[dreg:$0x4] =	wrdreg $0xC0  }
0xbc: {  	_ =	task [dreg:s22], $0x5FFFF  }
0xbd: {  	[dreg:$0x1] =	wrdreg $0xFFFFFFFF  }
0xbe: {  	[dreg:$0x0] =	wrdreg $0x60  }
0xbf: {  	[dreg:$0x2] =	wrdreg s5  }
0xc0: {  	[dreg:$0x3] =	wrdreg s18  }
0xc1: {  	[dreg:$0x4] =	wrdreg s4  }
0xc2: {  	[dreg:$0x5] =	wrdreg s24  }
0xc3: {  	[dreg:$0x6] =	wrdreg $0xC1000  }
0xc4: {  	[dreg:$0x7] =	wrdreg $0xA  }
0xc5: {  	_ =	task.clear_ibuf [dreg:s22], $0x8FFFF;
	_ =	strace $0x9000004C  }
0xc6: {  	s29 =	simm.s32 $0xA;
	_ =	strace $0x8000004E  }
0xc7: {  	_ =	swait.ge [sflag:s29], $0x1  }
0xc8: {  	[sflag:s29] =	ssyncadd.s32 $0xFFFFFFFF  }
0xc9: {  	_ =	strace $0x9000004E  }
0xca: {  	_ =	sfence  }
0xcb: {  	s30 =	sld [smem:$0x0];
	_ =	sdelay $0x2  }
0xcc: {  	s31 =	sshll.u32 s1, $0xD;
	s1 =	sshrl.u32 s1, $0x2  }
0xcd: {  	s4 =	sand.u32 $0x4000, s31;
	s1 =	sadd.s32 s1, s30  }
0xce: {  	s0 =	sor.u32 s4, s0;
	s1 =	sshll.u32 s1, $0x11  }
0xcf: {  	s0 =	sor.u32 s1, s0  }
0xd0: {  	s0 =	sadd.s32 $0x8F2B, s0  }
0xd1: {  	[sflag:s0] =	ssyncadd.remote.s32 $0x1  }
0xd2: {  	_ =	sfence.sel $0xFFFF  }
0xd3: {  	[dreg:$0x0] =	wrdreg $0xFFFFFFFF;
	(pc) =	sbr.abs _section_cstart, $3  }
0xd4: {  	[dreg:$0x1] =	wrdreg $0xFFFFFFFF  }
0xd5: {  	_ =	task.clear_ibuf [dreg:s22], $0x2FFFF;
	_ =	strace $0x9FFFFFFF  }
0xd6: {  	(tm) =	ssettm $0x7FFFFFFF  }
0xd7: {  	_ =	shalt  }
tec
execute0_lowered:
.L_overlay_start_1:
0x0: {  	(tag) =	ssettag $0x1  }
0x1: {  	s1 =	rddreg [dreg:$0x0]  }
0x2: {  	s2 =	rddreg [dreg:$0x1]  }
0x3: {  	s3 =	rddreg [dreg:$0x2]  }
0x4: {  	s9 =	rddreg [dreg:$0x3]  }
0x5: {  	s4 =	rddreg [dreg:$0x4]  }
0x6: {  	s0 =	rddreg [dreg:$0x5]  }
0x7: {  	s5 =	simm.s32 $0x0;
	s6 =	srdreg.scid;
	s7 =	stileid.u32  }
0x8: {  	s17 =	simm.s32 $0x80;
	s18 =	simm.s32 $0x4100;
	s19 =	simm.s32 $0x100  }
0x9: {  	s20 =	simm.s32 $0x1;
	s28 =	simm.s32 $0x0;
	[smem:$0x7FF] =	sst s5  }
0xa: {  	s6 =	sand.u32 $0x1, s6;
	s13 =	smul.u32 $0x13800, s7;
	s8 =	sadd.s32 $0x50AC00, s9  }
0xb: {  	s14 =	sadd.s32 $0x4FC00, s9;
	s9 =	sshll.u32 s7, $0x1;
	s29 =	smul.u32 $0x4E000, s7  }
0xc: {  	s21 =	sadd.s32 $0x124800, s4;
	p0 =	sne.s32 s7, $0x0;
	p1 =	seq.s32 s7, $0xF  }
0xd: {  	s10 =	ssub.s32 $0x2, s6;
	s11 =	smul.u32 $0x138800, s6;
	_ =	strace $0x8000004D  }
0xe: {  	s21 =	sshrl.u32 @p1 s21, $0x3;
	s12 =	sshrl.u32 s10, $0x1;
	s30 =	sshrl.u32 s29, $0x2  }
.Ltmp0:
0xf: {  	s15 =	ssub.s32 s10, s12;
	s26 =	sadd.s32 s13, s11;
	(pc) =	sbr.rel .LBB2_1-.Ltmp0, $4  }
0x10: {  	s10 =	sadd.s32 $0x138000, s4;
	s16 =	sshrl.u32 s11, $0x3;
	s22 =	sadd.s32 s30, s4  }
0x11: {  	s12 =	sshrl.u32 s26, $0x3;
	s31 =	sadd.s32 s14, s16;
	s13 =	smax.u32 s15, $0x1  }
0x12: {  	s15 =	simm.s32 $0x2;
	s16 =	simm.s32 $0x3;
	s22 =	sshrl.u32 @!p1 s22, $0x3  }
0x13: {  	v0 =	vimm.f32 $0.0e+00;
	s11 =	sadd.s32 s14, s12;
	s12 =	sadd.s32 $0x24900, s31;
	s14 =	simm.s32 $0x8100  }
.LBB2_13:
0x14: {  	[bflag:$0x0] =	sbarrier.arrive $0xFFFF;
	s23 =	simm.s32 @p1 $0x1FC2  }
0x15: {  	[hbm:s12], [sflag:s23] =	dma.local @p1 [spmem:s21], $0x2800  }
0x16: {  	s23 =	simm.s32 @p1 $0x2  }
0x17: {  	_ =	swait.ge @p1 [sflag:s23], $0x2800  }
0x18: {  	s24 =	sshll.u32 @!p1 s7, $0x6;
	s5 =	sadd.s32 $0x1, s5;
	[sflag:s23] =	ssyncset.done @p1 $0x0  }
0x19: {  	p2 =	sne.s32 s5, s13;
	[sflag:s23] =	ssyncadd.s32 @p1 $0xFFFFD800;
	s23 =	sor.u32 @!p1 $0x1C02, s24  }
0x1a: {  	[hbm:s11], [sflag:s23] =	dma.local @!p1 [spmem:s22], $0x2700  }
.Ltmp1:
0x1b: {  	_ = 	snop;
	(pc) =	sbr.rel @!p2 .LBB2_14-.Ltmp1, $4  }
0x1c: {  	s23 =	simm.s32 @!p1 $0x2  }
0x1d: {  	_ =	swait.ge @!p1 [sflag:s23], $0x2700  }
0x1e: {  	[sflag:s23] =	ssyncset.done @!p1 $0x0  }
0x1f: {  	[sflag:s23] =	ssyncadd.s32 @!p1 $0xFFFFD900  }
.LBB2_1:
0x20: {  	s23 =	simm.s32 $0x0;
	s24 =	simm.s32 $0x200  }
.LBB2_2:
0x21: {  	p2 =	sne.s32 s24, $0xFE00;
	[tilespmem:s23+$0x8170] =	vst v0  }
0x22: {  	[tilespmem:s23+$0x8100] =	vst v0  }
0x23: {  	[tilespmem:s23+$0x8110] =	vst v0  }
.Ltmp2:
0x24: {  	[tilespmem:s23+$0x8120] =	vst v0;
	(pc) =	sbr.rel @p2 .LBB2_2-.Ltmp2, $4  }
0x25: {  	[tilespmem:s23+$0x8130] =	vst v0  }
0x26: {  	[tilespmem:s23+$0x8140] =	vst v0  }
0x27: {  	[tilespmem:s23+$0x8150] =	vst v0  }
0x28: {  	[tilespmem:s23+$0x8160] =	vst v0;
	s23 =	sshra.s32 s24, $0x2;
	s24 =	sadd.s32 $0x200, s24  }
0x29: {  	[tilespmem:s23+$0x8170] =	vst v0  }
0x2a: {  	[tilespmem:s23+$0x8100] =	vst v0  }
0x2b: {  	[tilespmem:s23+$0x8110] =	vst v0  }
.Ltmp3:
0x2c: {  	[tilespmem:s23+$0x8120] =	vst v0;
	(pc) =	sbr.rel @p0 .LBB2_7-.Ltmp3, $4  }
0x2d: {  	[tilespmem:s23+$0x8130] =	vst v0  }
0x2e: {  	[tilespmem:s23+$0x8140] =	vst v0  }
0x2f: {  	[tilespmem:s23+$0x8150] =	vst v0  }
0x30: {  	[tilespmem:s23+$0x8160] =	vst v0  }
0x31: {  	s23 =	sadd.s32 $0x0, s4  }
0x32: {  	[spmem:s23] =	stream.linear.scatter [tilespmem:s14], [sflag:$0x2], $0x4000, $0x38;
	[tilespmem:$0x1F980] =	vst v63  }
0x33: {  	s23 =	simm.s32 $0x10000;
	_ =	swait.ge [sflag:s15], $0x4000  }
.LBB2_5:
0x34: {  	s24 =	sshra.s32 s23, $0x2;
	[sflag:s15] =	ssyncset.done $0x0;
	p2 =	sne.s32 s23, $0x4D0000  }
.Ltmp4:
0x35: {  	s24 =	sadd.s32 s24, s4;
	[sflag:s15] =	ssyncadd.s32 $0xFFFFC000;
	(pc) =	sbr.rel @p2 .LBB2_5-.Ltmp4, $3  }
0x36: {  	[spmem:s24] =	stream.linear.scatter [tilespmem:s14], [sflag:$0x2], $0x4000, $0x38;
	[tilespmem:$0x1F980] =	vst v63  }
0x37: {  	s23 =	sadd.s32 $0x10000, s23;
	_ =	sdelay $0x1  }
0x38: {  	_ =	swait.ge [sflag:s15], $0x4000  }
0x39: {  	[sflag:s15] =	ssyncset.done $0x0  }
0x3a: {  	[sflag:s15] =	ssyncadd.s32 $0xFFFFC000  }
0x3b: {  	[spmem:s10] =	stream.linear.scatter [tilespmem:s14], [sflag:$0x2], $0x800, $0x38;
	[tilespmem:$0x1F980] =	vst v63  }
0x3c: {  	_ =	swait.ge [sflag:s15], $0x800  }
0x3d: {  	[sflag:s15] =	ssyncset.done $0x0  }
0x3e: {  	[sflag:s15] =	ssyncadd.s32 $0xFFFFF800  }
.LBB2_7:
.Ltmp5:
0x3f: {  	(pc) =	sbr.rel .LBB2_8-.Ltmp5, $3  }
0x40: {  	_ =	sdelay $0x1  }
0x41: {  	[bflag:$0x0] =	sbarrier.arrive $0xFFFF  }
0x42: {  	s23 =	simm.s32 $0x0  }
.LBB2_12:
0x43: {  	s23 =	sadd.s32 $0x1, s23  }
0x44: {  	p2 =	sne.s32 s23, $0x4F  }
.Ltmp6:
0x45: {  	_ = 	snop;
	(pc) =	sbr.rel @!p2 .LBB2_13-.Ltmp6, $1  }
0x46: {  	_ =	sdelay $0x3  }
.LBB2_8:
0x47: {  	s24 =	sshll.u32 s23, $0x5  }
0x48: {  	s24 =	sor.u32 s9, s24  }
0x49: {  	p2 =	sgt.u32 s24, $0x9C3  }
.Ltmp7:
0x4a: {  	_ = 	snop;
	(pc) =	sbr.rel @p2 .LBB2_12-.Ltmp7, $1  }
0x4b: {  	_ =	sdelay $0x3  }
0x4c: {  	s24 =	sor.u32 s6, s24  }
0x4d: {  	s25 =	sshll.u32 s24, $0x4  }
0x4e: {  	s26 =	sadd.s32 s2, s25  }
0x4f: {  	[tilespmem:s28], [sflag:$0x3] =	stream.linear.gather [hbm4b:s26+s28], $0x80, $0x38;
	[tilespmem:$0x1F980] =	vst v63  }
0x50: {  	_ =	swait.ge [sflag:s16], $0x80  }
0x51: {  	[sflag:s16] =	ssyncset.done $0x0  }
0x52: {  	s25 =	sadd.s32 s3, s25;
	[sflag:s16] =	ssyncadd.s32 $0xFFFFFF80  }
0x53: {  	[tilespmem:s17], [sflag:$0x3] =	stream.linear.gather [hbm4b:s25+s28], $0x80, $0x38;
	[tilespmem:$0x1F980] =	vst v63  }
0x54: {  	_ =	swait.ge [sflag:s16], $0x80  }
0x55: {  	s24 =	sshll.u32 s24, $0xB;
	[sflag:s16] =	ssyncset.done $0x0  }
0x56: {  	s24 =	sadd.s32 s8, s24;
	[sflag:s16] =	ssyncadd.s32 $0xFFFFFF80  }
0x57: {  	[tilespmem:s18], [sflag:$0x3] =	stream.linear.gather [hbm4b:s24+s28], $0x4000, $0x38;
	[tilespmem:$0x1F980] =	vst v63  }
0x58: {  	_ =	swait.ge [sflag:s16], $0x4000  }
0x59: {  	[sflag:s16] =	ssyncset.done $0x0  }
0x5a: {  	[sflag:s16] =	ssyncadd.s32 $0xFFFFC000  }
0x5b: {  	[tilespmem:s19], [sflag:$0x1] =	stream.indirect.gather [hbm4b:s1+s17], $0x80, s28, s17, $0xb8;
	[tilespmem:$0x1F980] =	vst v63  }
0x5c: {  	_ =	swait.ge [sflag:s20], $0x4000  }
0x5d: {  	[sflag:s20] =	ssyncset.done $0x0  }
0x5e: {  	s25 =	simm.s32 $0x0;
	[sflag:s20] =	ssyncadd.s32 $0xFFFFC000  }
0x5f: {  	v2 =	vld [tilespmem:s25+$0x4100]  }
0x60: {  	v6 =	vld [tilespmem:s25+$0x100]  }
0x61: {  	v8 =	vld [tilespmem:s25+$0x170]  }
0x62: {  	v10 =	vld [tilespmem:s25+$0x110]  }
0x63: {  	v4 =	vld [tilespmem:s25+$0x120]  }
0x64: {  	v3 =	vld [tilespmem:s25+$0x130];
	v12 =	vbroadcast v2, $0x0;
	v1 =	vbroadcast v2, $0x3  }
0x65: {  	v5 =	vld [tilespmem:s25+$0x140];
	v7 =	vbroadcast v2, $0x1  }
0x66: {  	v9 =	vmul.f32 v12, v6;
	v6 =	vld [tilespmem:s25+$0x150];
	v11 =	vmul.f32 v8, v1  }
0x67: {  	s26 =	simm.s32 $0x400;
	s24 =	simm.s32 $0x80;
	v2 =	vbroadcast v2, $0x2;
	v10 =	vmul.f32 v10, v12;
	v8 =	vld [tilespmem:s25+$0x160]  }
.LBB2_10:
0x68: {  	p2 =	sne.s32 s26, $0xFE00;
	v12 =	vld [tilespmem:s24+$0x4100];
	v4 =	vmul.f32 v4, v7;
	[tilespmem:s25+$0x8170] =	vst v11  }
0x69: {  	v11 =	vld [tilespmem:s24+$0x100];
	[tilespmem:s25+$0x8100] =	vst v9;
	v3 =	vmul.f32 v3, v7  }
0x6a: {  	v13 =	vld [tilespmem:s24+$0x170];
	[tilespmem:s25+$0x8110] =	vst v10;
	v5 =	vmul.f32 v5, v2  }
0x6b: {  	v10 =	vld [tilespmem:s24+$0x110];
	[tilespmem:s25+$0x8120] =	vst v4;
	v6 =	vmul.f32 v6, v2  }
.Ltmp8:
0x6c: {  	v4 =	vld [tilespmem:s24+$0x120];
	[tilespmem:s25+$0x8130] =	vst v3;
	v8 =	vmul.f32 v8, v1;
	(pc) =	sbr.rel @p2 .LBB2_10-.Ltmp8, $4  }
0x6d: {  	v14 =	vbroadcast v12, $0x0;
	v3 =	vld [tilespmem:s24+$0x130];
	v1 =	vbroadcast v12, $0x3;
	[tilespmem:s25+$0x8140] =	vst v5  }
0x6e: {  	v7 =	vbroadcast v12, $0x1;
	v2 =	vbroadcast v12, $0x2;
	v5 =	vld [tilespmem:s24+$0x140];
	[tilespmem:s25+$0x8150] =	vst v6  }
0x6f: {  	v9 =	vmul.f32 v14, v11;
	v6 =	vld [tilespmem:s24+$0x150];
	v11 =	vmul.f32 v13, v1;
	[tilespmem:s25+$0x8160] =	vst v8;
	s25 =	smov.u32 s24  }
0x70: {  	s24 =	sshra.s32 s26, $0x2;
	s26 =	sadd.s32 $0x200, s26;
	v10 =	vmul.f32 v10, v14;
	v8 =	vld [tilespmem:s25+$0x160]  }
0x71: {  	v12 =	vld [tilespmem:s24+$0x4100];
	[tilespmem:s25+$0x8170] =	vst v11  }
0x72: {  	v4 =	vmul.f32 v4, v7;
	v11 =	vld [tilespmem:s24+$0x100];
	[tilespmem:s25+$0x8100] =	vst v9  }
0x73: {  	v3 =	vmul.f32 v3, v7;
	v9 =	vld [tilespmem:s24+$0x170];
	[tilespmem:s25+$0x8110] =	vst v10  }
0x74: {  	v5 =	vmul.f32 v5, v2;
	v10 =	vld [tilespmem:s24+$0x110];
	[tilespmem:s25+$0x8120] =	vst v4  }
0x75: {  	v2 =	vmul.f32 v6, v2;
	v4 =	vld [tilespmem:s24+$0x120];
	[tilespmem:s25+$0x8130] =	vst v3  }
0x76: {  	v3 =	vld [tilespmem:s24+$0x130];
	[tilespmem:s25+$0x8140] =	vst v5;
	v58 =	vbroadcast v12, $0x3  }
0x77: {  	v1 =	vmul.f32 v8, v1;
	v5 =	vld [tilespmem:s24+$0x140];
	[tilespmem:s25+$0x8150] =	vst v2;
	v2 =	vbroadcast v12, $0x0  }
0x78: {  	v60 =	vmul.f32 v9, v58  }
0x79: {  	v59 =	vld [tilespmem:s24+$0x150];
	[tilespmem:s25+$0x8160] =	vst v1;
	v1 =	vbroadcast v12, $0x1;
	v61 =	vmul.f32 v2, v11  }
0x7a: {  	v62 =	vld [tilespmem:s24+$0x160];
	v2 =	vmul.f32 v10, v2;
	[tilespmem:s24+$0x8170] =	vst v60  }
0x7b: {  	v63 =	vbroadcast v12, $0x2;
	v4 =	vmul.f32 v4, v1;
	[tilespmem:s24+$0x8100] =	vst v61  }
0x7c: {  	v1 =	vmul.f32 v3, v1;
	[tilespmem:s24+$0x8110] =	vst v2  }
0x7d: {  	v2 =	vmul.f32 v5, v63;
	[tilespmem:s24+$0x8120] =	vst v4  }
0x7e: {  	v3 =	vmul.f32 v59, v63;
	[tilespmem:s24+$0x8130] =	vst v1  }
0x7f: {  	v1 =	vmul.f32 v62, v58;
	[tilespmem:s24+$0x8140] =	vst v2  }
0x80: {  	[tilespmem:s24+$0x8150] =	vst v3  }
.Ltmp9:
0x81: {  	[tilespmem:s24+$0x8160] =	vst v1;
	(pc) =	sbr.rel .LBB2_12-.Ltmp9, $4  }
0x82: {  	[spmem:s4] =	stream.indirect.scatter.add.f32 [tilespmem:s14], [sflag:$0x2], $0x80, s17, s17, $0xb8;
	[tilespmem:$0x1F980] =	vst v63  }
0x83: {  	_ =	swait.ge [sflag:s15], $0x4000  }
0x84: {  	[sflag:s15] =	ssyncset.done $0x0  }
0x85: {  	[sflag:s15] =	ssyncadd.s32 $0xFFFFC000  }
.LBB2_14:
0x86: {  	_ =	sfence.sel $0x180000  }
0x87: {  	[bflag:$0x0] =	sbarrier.arrive $0xFFFF  }
0x88: {  	_ =	strace $0x9000004D  }
0x89: {  	s0 =	sadd.s32 @!p0 $0x100000, s0;
	[bflag:$0x2] =	sbarrier.arrive $0xFFFF  }
0x8a: {  	[sflag:s0] =	ssyncadd.tile.s32 @!p0 $0x1;
	_ =	shalt  }
.Lfunc_end2:
_tile_overlayer_lowered:
.L_overlay_start_2:
0x8b: {  	(tag) =	ssettag $0x2  }
0x8c: {  	s0 =	rddreg [dreg:$0x0];
	s2 =	stileid.u32  }
0x8d: {  	s1 =	rddreg [dreg:$0x1];
	p0 =	sne.s32 s2, $0x0  }
0x8e: {  	s3 =	rddreg [dreg:$0x2];
	[bflag:$0x3] =	sbarrier.arrive $0xFFFF;
	s2 =	simm.s32 @!p0 $0x1C02  }
0x8f: {  	[timem:s3], [sflag:s2] =	dma.local @!p0 [hbm:s0], s1  }
0x90: {  	s0 =	simm.s32 @!p0 $0x2  }
0x91: {  	_ =	swait.ge @!p0 [sflag:s0], s1  }
0x92: {  	s1 =	ssub.s32 @!p0 $0x0, s1;
	[sflag:s0] =	ssyncset.done @!p0 $0x0  }
0x93: {  	[sflag:s0] =	ssyncadd.s32 @!p0 s1  }
0x94: {  	[bflag:$0x3] =	sbarrier.arrive $0xFFFF  }
0x95: {  	_ =	shalt  }

// kernel: kernel.8.cloned.1.call-start
scs
__scs_entry_jumppad:
0x0: {  	(pc) =	sbr.rel $0x88, $3  }
0x1: {  	(tag) =	ssettag $0x0;
	lr =	simm.s32 $0x1  }
0x2: {  	[smem:$0x3F99] =	sst lr;
	_ =	strace $0xD0000000  }
0x3: {  	_ = 	snop  }
0x4: {  	_ = 	snop  }
0x5: {  	_ = 	snop  }
0x6: {  	_ = 	snop  }
0x7: {  	_ = 	snop  }
__scs_overlays_trampoline_lowered:
0x8: {  	[smem:$0x3FA8] =	sst s0  }
0x9: {  	[smem:$0x3FA9] =	sst s1  }
0xa: {  	[smem:$0x3FAA] =	sst s2  }
0xb: {  	[smem:$0x3FAB] =	sst s3  }
0xc: {  	[smem:$0x3FAC] =	sst s4  }
0xd: {  	[smem:$0x3FAD] =	sst s5  }
0xe: {  	[smem:$0x3FAE] =	sst s6  }
0xf: {  	[smem:$0x3FAF] =	sst s7  }
0x10: {  	[smem:$0x3FB0] =	sst s8  }
0x11: {  	[smem:$0x3FB1] =	sst s9;
	s0 =	simm.s32 @!p0 $0x0  }
0x12: {  	s1 =	sld [smem:$0x3F97];
	s0 =	simm.s32 @p0 $0x1  }
0x13: {  	[smem:$0x3FB2] =	sst s0;
	s0 =	simm.s32 @!p1 $0x0  }
0x14: {  	s2 =	sld [smem:$0x3F96];
	s0 =	simm.s32 @p1 $0x1  }
0x15: {  	[smem:$0x3FB3] =	sst s0;
	s0 =	simm.s32 @!p2 $0x0  }
0x16: {  	s3 =	sld [smem:$0x3FDB];
	s0 =	simm.s32 @p2 $0x1  }
0x17: {  	s4 =	simm.s32 $0x1BF5;
	[smem:$0x3FB5] =	sst s0  }
0x18: {  	s0 =	sld [smem:$0x3F98];
	_ =	swait.ge [sflag:s4], $0x0  }
0x19: {  	s7 =	sld [smem:$0x3F99]  }
0x1a: {  	s8 =	sadd.s32 $0xFFFFE003, lr  }
0x1b: {  	s9 =	sadd.s32 $0xFFFFFEF7, lr;
	s5 =	simm.s32 $0xFFFFFFFF;
	p2 =	slt.u32 s8, $0xFFFFF086  }
0x1c: {  	p1 =	slt.u32 s9, $0xF7A;
	s5 =	simm.s32 @!p2 $0x0  }
0x1d: {  	s5 =	simm.s32 @p1 $0x1;
	p0 =	seq.s32 s7, s2  }
0x1e: {  	s7 =	smul.u32 @!p0 $0xF7A, s2;
	p2 =	seq.s32 @!p0 s5, $0x0  }
0x1f: {  	s9 =	smul.u32 $0xF7A, s1;
	s8 =	simm.s32 @!p0 $0x1BF5;
	p2 =	por !p2, p0  }
0x20: {  	[sflag:s8] =	ssyncset.s32 @!p0 $0xFFFFF086;
	s6 =	sadd.s32 @!p0 s3, s7;
	s7 =	simm.s32 @!p0 $0x108  }
0x21: {  	s3 =	sadd.s32 s3, s9;
	s6 =	sadd.s32 @!p0 $0x88, s6;
	s7 =	simm.s32 @p2 $0x1082  }
0x22: {  	[simem:s7], [sflag:s8] =	dma.local @!p0 [hbm:s6], $0xF7A  }
0x23: {  	s9 =	sor.u32 $0xD0000000, s2;
	s6 =	simm.s32 $0x108;
	_ =	swait.ge @!p0 [sflag:s8], $0x0  }
0x24: {  	s3 =	sadd.s32 $0x88, s3;
	s6 =	simm.s32 @!p1 $0x1082;
	[sflag:s4] =	ssyncset.s32 $0xFFFFF086  }
0x25: {  	[simem:s6], [sflag:s4] =	dma.local [hbm:s3], $0xF7A  }
0x26: {  	[smem:$0x3F99] =	sst s1;
	(tag) =	ssettag s2;
	_ =	strace s9  }
0x27: {  	s1 =	sld [smem:$0x3FA9]  }
0x28: {  	s2 =	sld [smem:$0x3FAA]  }
0x29: {  	s4 =	sld [smem:$0x3FAC]  }
0x2a: {  	p0 =	seq.s32 s5, $0x0;
	s5 =	sld [smem:$0x3FAD]  }
0x2b: {  	s6 =	sld [smem:$0x3FAE]  }
0x2c: {  	s7 =	sld [smem:$0x3FAF]  }
0x2d: {  	s3 =	simm.s32 $0x108;
	s8 =	sld [smem:$0x3FB0]  }
0x2e: {  	s3 =	simm.s32 @!p0 $0x1082;
	s9 =	sld [smem:$0x3FB1]  }
0x2f: {  	lr =	sadd.s32 s0, s3;
	s0 =	sld [smem:$0x3FA8]  }
0x30: {  	s3 =	sld [smem:$0x3FAB]  }
0x31: {  	[smem:$0x3FB4] =	sst s10  }
0x32: {  	s10 =	sld [smem:$0x3FB2];
	_ =	sdelay $0x3  }
0x33: {  	p0 =	seq.s32 s10, $0x1;
	s10 =	sld [smem:$0x3FB4];
	_ =	sdelay $0x3  }
0x34: {  	[smem:$0x3FB4] =	sst s10  }
0x35: {  	s10 =	sld [smem:$0x3FB3];
	_ =	sdelay $0x3  }
0x36: {  	p1 =	seq.s32 s10, $0x1;
	s10 =	sld [smem:$0x3FB4];
	_ =	sdelay $0x3  }
0x37: {  	[smem:$0x3FB4] =	sst s10  }
0x38: {  	s10 =	sld [smem:$0x3FB5]  }
0x39: {  	_ = 	snop;
	(pc) =	sbr.ind lr, $3  }
0x3a: {  	_ = 	snop  }
0x3b: {  	_ = 	snop  }
0x3c: {  	p2 =	seq.s32 s10, $0x1;
	s10 =	sld [smem:$0x3FB4]  }
0x3d: {  	_ =	shalt  }
0x3e: {  	_ =	shalt  }
0x3f: {  	_ =	shalt  }
0x40: {  	_ =	shalt  }
0x41: {  	_ =	shalt  }
0x42: {  	_ =	shalt  }
0x43: {  	_ =	shalt  }
0x44: {  	_ =	shalt  }
0x45: {  	_ =	shalt  }
0x46: {  	_ =	shalt  }
0x47: {  	_ =	shalt  }
0x48: {  	_ =	shalt  }
0x49: {  	_ =	shalt  }
0x4a: {  	_ =	shalt  }
0x4b: {  	_ =	shalt  }
0x4c: {  	_ =	shalt  }
0x4d: {  	_ =	shalt  }
0x4e: {  	_ =	shalt  }
0x4f: {  	_ =	shalt  }
0x50: {  	_ =	shalt  }
0x51: {  	_ =	shalt  }
0x52: {  	_ =	shalt  }
0x53: {  	_ =	shalt  }
0x54: {  	_ =	shalt  }
0x55: {  	_ =	shalt  }
0x56: {  	_ =	shalt  }
0x57: {  	_ =	shalt  }
0x58: {  	_ =	shalt  }
0x59: {  	_ =	shalt  }
0x5a: {  	_ =	shalt  }
0x5b: {  	_ =	shalt  }
0x5c: {  	_ =	shalt  }
0x5d: {  	_ =	shalt  }
0x5e: {  	_ =	shalt  }
0x5f: {  	_ =	shalt  }
0x60: {  	_ =	shalt  }
0x61: {  	_ =	shalt  }
0x62: {  	_ =	shalt  }
0x63: {  	_ =	shalt  }
0x64: {  	_ =	shalt  }
0x65: {  	_ =	shalt  }
0x66: {  	_ =	shalt  }
0x67: {  	_ =	shalt  }
0x68: {  	_ =	shalt  }
0x69: {  	_ =	shalt  }
0x6a: {  	_ =	shalt  }
0x6b: {  	_ =	shalt  }
0x6c: {  	_ =	shalt  }
0x6d: {  	_ =	shalt  }
0x6e: {  	_ =	shalt  }
0x6f: {  	_ =	shalt  }
0x70: {  	_ =	shalt  }
0x71: {  	_ =	shalt  }
0x72: {  	_ =	shalt  }
0x73: {  	_ =	shalt  }
0x74: {  	_ =	shalt  }
0x75: {  	_ =	shalt  }
0x76: {  	_ =	shalt  }
0x77: {  	_ =	shalt  }
0x78: {  	_ =	shalt  }
0x79: {  	_ =	shalt  }
0x7a: {  	_ =	shalt  }
0x7b: {  	_ =	shalt  }
0x7c: {  	_ =	shalt  }
0x7d: {  	_ =	shalt  }
0x7e: {  	_ =	shalt  }
0x7f: {  	_ =	shalt  }
0x80: {  	_ =	shalt  }
0x81: {  	_ =	shalt  }
0x82: {  	_ =	shalt  }
0x83: {  	_ =	shalt  }
0x84: {  	_ =	shalt  }
0x85: {  	_ =	shalt  }
0x86: {  	_ =	shalt  }
0x87: {  	_ =	shalt  }
.Lfunc_end0:
.L_simem_size_0:
called_computation_lowered:
.L_overlay_start_0:
0x88: {  	s2 =	sld [smem:$0x3FD9]  }
0x89: {  	s3 =	sld [smem:$0x3FFE];
	_ =	sdelay $0x1  }
0x8a: {  	s1 =	srdreg.scid  }
0x8b: {  	s0 =	sand.u32 $0x1, s1  }
0x8c: {  	s17 =	sshll.u32 s0, $0xA;
	s2 =	sadd.s32 s3, s2  }
0x8d: {  	s2 =	sadd.s32 s2, s17  }
0x8e: {  	[smem:$0x3FC0] =	sst s2  }
0x8f: {  	_ = 	snop  }
0x90: {  	s2 =	sld [smem:$0x3FC8]  }
0x91: {  	s18 =	sld [smem:$0x3FC7]  }
0x92: {  	s4 =	sld [smem:$0x3FD0];
	(tm) =	ssettm $0x1  }
0x93: {  	s5 =	sld [smem:$0x3FFB];
	_ =	sdelay $0x3  }
0x94: {  	_ =	strace s5  }
0x95: {  	s5 =	sld [smem:$0x3FFC];
	_ =	sdelay $0x3  }
0x96: {  	_ =	strace s5  }
0x97: {  	s5 =	sld [smem:$0x3FFD];
	_ =	sdelay $0x3  }
0x98: {  	_ =	strace s5  }
0x99: {  	_ =	strace $0x8FFFFFFF  }
0x9a: {  	s19 =	sld [smem:$0x3FDB];
	_ =	sdelay $0x1  }
0x9b: {  	s6 =	simm.s32 $_scs_section_size  }
0x9c: {  	s7 =	simm.s32 $_size__tile_overlayer_lowered;
	s8 =	simm.s32 $_tile_overlayer_lowered  }
0x9d: {  	s22 =	simm.s32 $0x1BFF;
	s21 =	sshll.u32 s8, $0x1;
	s5 =	sadd.s32 s6, s19  }
0x9e: {  	s9 =	simm.s32 $0x0;
	s20 =	sshll.u32 s7, $0x1;
	s7 =	sadd.s32 s21, s5  }
0x9f: {  	[timem:s9], [sflag:s22] =	dma.local [hbm:s7], s20  }
0xa0: {  	_ =	swait.ge [sflag:s22], s20  }
0xa1: {  	s6 =	ssub.s32 $0x0, s20;
	[sflag:s22] =	ssyncset.done $0x0  }
0xa2: {  	[sflag:s22] =	ssyncadd.s32 s6;
	_ =	sdelay $0x1  }
0xa3: {  	s23 =	simm.s32 $0x1B8B  }
0xa4: {  	_ =	swait.ge [sflag:s23], $0x1  }
0xa5: {  	[sflag:s23] =	ssyncset.done $0x0  }
0xa6: {  	s25 =	simm.s32 $0x1B8E;
	s24 =	sld [smem:$0x3FFE];
	[sflag:s23] =	ssyncadd.s32 $0xFFFFFFFF  }
0xa7: {  	s26 =	simm.s32 $execute0_lowered;
	[smem:$0x3FD2] =	sst s25  }
0xa8: {  	s7 =	sshll.u32 s26, $0x1;
	_ =	strace $0x80000046;
	[dreg:$0x1] =	wrdreg $0xFFFFFFFF  }
0xa9: {  	s28 =	simm.s32 $_size_execute0_lowered;
	s5 =	sadd.s32 s5, s7;
	[dreg:$0x0] =	wrdreg $0x0  }
0xaa: {  	s7 =	sshll.u32 s28, $0x1;
	[dreg:$0x2] =	wrdreg s5  }
0xab: {  	[dreg:$0x3] =	wrdreg s7  }
0xac: {  	[dreg:$0x4] =	wrdreg $0xC0  }
0xad: {  	_ =	task [dreg:s9], $0x5FFFF  }
0xae: {  	[dreg:$0x1] =	wrdreg $0xFFFFFFFF  }
0xaf: {  	[dreg:$0x0] =	wrdreg $0x60  }
0xb0: {  	[dreg:$0x2] =	wrdreg s4  }
0xb1: {  	[dreg:$0x3] =	wrdreg s24  }
0xb2: {  	[dreg:$0x4] =	wrdreg s2  }
0xb3: {  	[dreg:$0x5] =	wrdreg s18  }
0xb4: {  	[dreg:$0x6] =	wrdreg $0x9  }
0xb5: {  	_ =	task.clear_ibuf [dreg:s9], $0x7FFFF;
	_ =	strace $0x90000046  }
0xb6: {  	s29 =	simm.s32 $0x9;
	_ =	strace $0x80000048  }
0xb7: {  	_ =	swait.ge [sflag:s29], $0x1  }
0xb8: {  	[sflag:s29] =	ssyncadd.s32 $0xFFFFFFFF  }
0xb9: {  	_ =	strace $0x90000048  }
0xba: {  	_ =	sfence  }
0xbb: {  	s30 =	sld [smem:$0x0];
	_ =	sdelay $0x2  }
0xbc: {  	s31 =	sshll.u32 s1, $0xD;
	s1 =	sshrl.u32 s1, $0x2  }
0xbd: {  	s3 =	sand.u32 $0x4000, s31;
	s1 =	sadd.s32 s1, s30  }
0xbe: {  	s0 =	sor.u32 s3, s0;
	s1 =	sshll.u32 s1, $0x11  }
0xbf: {  	s0 =	sor.u32 s1, s0  }
0xc0: {  	s0 =	sadd.s32 $0x8F2B, s0  }
0xc1: {  	[sflag:s0] =	ssyncadd.remote.s32 $0x1  }
0xc2: {  	_ =	sfence.sel $0xFFFF  }
0xc3: {  	[dreg:$0x0] =	wrdreg $0xFFFFFFFF;
	(pc) =	sbr.abs _section_cstart, $3  }
0xc4: {  	[dreg:$0x1] =	wrdreg $0xFFFFFFFF  }
0xc5: {  	_ =	task.clear_ibuf [dreg:s9], $0x2FFFF;
	_ =	strace $0x9FFFFFFF  }
0xc6: {  	(tm) =	ssettm $0x7FFFFFFF  }
0xc7: {  	_ =	shalt  }
tec
execute0_lowered:
.L_overlay_start_1:
0x0: {  	(tag) =	ssettag $0x1  }
0x1: {  	s1 =	rddreg [dreg:$0x0]  }
0x2: {  	s6 =	rddreg [dreg:$0x1]  }
0x3: {  	s2 =	rddreg [dreg:$0x2]  }
0x4: {  	s3 =	rddreg [dreg:$0x3];
	s5 =	srdreg.scid  }
0x5: {  	s0 =	rddreg [dreg:$0x4];
	s4 =	simm.s32 $0x0;
	s11 =	simm.s32 $0x3  }
0x6: {  	s12 =	simm.s32 $0x80;
	s13 =	simm.s32 $0x100;
	s14 =	simm.s32 $0x4100  }
.Ltmp0:
0x7: {  	s15 =	simm.s32 $0x1;
	s5 =	sand.u32 $0x1, s5;
	(pc) =	sbr.rel .LBB2_1-.Ltmp0, $4  }
0x8: {  	s16 =	simm.s32 $0x2;
	s17 =	simm.s32 $0x0;
	s9 =	ssub.s32 $0x2, s5  }
0x9: {  	[smem:$0x7FF] =	sst s4;
	s7 =	sadd.s32 $0x1A00, s6;
	s10 =	sshrl.u32 s9, $0x1  }
0xa: {  	s8 =	sadd.s32 $0x28C00, s6;
	s6 =	stileid.u32;
	s10 =	ssub.s32 s9, s10  }
0xb: {  	_ =	strace $0x80000047;
	s9 =	sshll.u32 s6, $0x1;
	s10 =	smax.u32 s10, $0x1  }
.LBB2_7:
0xc: {  	s17 =	sadd.s32 $0x1, s17  }
0xd: {  	p0 =	sne.s32 s17, s10  }
.Ltmp1:
0xe: {  	_ = 	snop;
	(pc) =	sbr.rel @!p0 .LBB2_8-.Ltmp1, $1  }
0xf: {  	_ =	sdelay $0x3  }
.LBB2_1:
.Ltmp2:
0x10: {  	(pc) =	sbr.rel .LBB2_2-.Ltmp2, $2  }
0x11: {  	_ =	sdelay $0x2  }
0x12: {  	s18 =	simm.s32 $0x0  }
.LBB2_6:
0x13: {  	s18 =	sadd.s32 $0x1, s18  }
0x14: {  	p0 =	sne.s32 s18, $0x4F  }
.Ltmp3:
0x15: {  	_ = 	snop;
	(pc) =	sbr.rel @!p0 .LBB2_7-.Ltmp3, $1  }
0x16: {  	_ =	sdelay $0x3  }
.LBB2_2:
0x17: {  	s19 =	sshll.u32 s18, $0x5  }
0x18: {  	s19 =	sor.u32 s9, s19  }
0x19: {  	p0 =	sgt.u32 s19, $0x9C3  }
.Ltmp4:
0x1a: {  	_ = 	snop;
	(pc) =	sbr.rel @p0 .LBB2_6-.Ltmp4, $1  }
0x1b: {  	_ =	sdelay $0x3  }
0x1c: {  	s19 =	sor.u32 s5, s19  }
0x1d: {  	s20 =	sshll.u32 s19, $0x4  }
0x1e: {  	s22 =	simm.s32 $0x0;
	s21 =	sadd.s32 s2, s20  }
0x1f: {  	[tilespmem:s22], [sflag:$0x3] =	stream.linear.gather [hbm4b:s21+s22], $0x80, $0x38;
	[tilespmem:$0x8100] =	vst v63  }
0x20: {  	_ =	swait.ge [sflag:s11], $0x80  }
0x21: {  	[sflag:s11] =	ssyncset.done $0x0  }
0x22: {  	s20 =	sadd.s32 s3, s20;
	[sflag:s11] =	ssyncadd.s32 $0xFFFFFF80  }
0x23: {  	[tilespmem:s12], [sflag:$0x3] =	stream.linear.gather [hbm4b:s20+s22], $0x80, $0x38;
	[tilespmem:$0x8100] =	vst v63  }
0x24: {  	_ =	swait.ge [sflag:s11], $0x80  }
0x25: {  	[sflag:s11] =	ssyncset.done $0x0  }
0x26: {  	[sflag:s11] =	ssyncadd.s32 $0xFFFFFF80  }
0x27: {  	[tilespmem:s13], [sflag:$0x1] =	stream.indirect.gather [hbm4b:s1+s12], $0x80, s22, s12, $0xb8;
	[tilespmem:$0x8100] =	vst v63  }
0x28: {  	_ = 	snop  }
0x29: {  	[tilespmem:s14], [sflag:$0x1] =	stream.indirect.gather [hbm4b:s7+s12], $0x80, s12, s12, $0xb8;
	[tilespmem:$0x8100] =	vst v63  }
0x2a: {  	_ =	swait.ge [sflag:s15], $0x4000  }
0x2b: {  	[sflag:s15] =	ssyncset.done $0x0  }
0x2c: {  	[sflag:s15] =	ssyncadd.s32 $0xFFFFC000  }
0x2d: {  	_ =	swait.ge [sflag:s15], $0x4000  }
0x2e: {  	[sflag:s15] =	ssyncset.done $0x0  }
0x2f: {  	s20 =	simm.s32 $0x0;
	[sflag:s15] =	ssyncadd.s32 $0xFFFFC000  }
0x30: {  	v7 =	vld [tilespmem:s20+$0x4100]  }
0x31: {  	v11 =	vld [tilespmem:s20+$0x4110]  }
0x32: {  	v5 =	vld [tilespmem:s20+$0x4120]  }
0x33: {  	v4 =	vld [tilespmem:s20+$0x4130]  }
0x34: {  	v3 =	vld [tilespmem:s20+$0x4140]  }
0x35: {  	v2 =	vld [tilespmem:s20+$0x4150]  }
0x36: {  	v1 =	vld [tilespmem:s20+$0x4160]  }
0x37: {  	v0 =	vld [tilespmem:s20+$0x4170]  }
0x38: {  	v12 =	vld [tilespmem:s20+$0x100]  }
0x39: {  	v13 =	vld [tilespmem:s20+$0x110]  }
0x3a: {  	v10 =	vld [tilespmem:s20+$0x120]  }
0x3b: {  	v9 =	vld [tilespmem:s20+$0x130]  }
0x3c: {  	v8 =	vld [tilespmem:s20+$0x140]  }
0x3d: {  	v6 =	vld [tilespmem:s20+$0x150];
	v12 =	vadd.f32 v7, v12  }
0x3e: {  	s21 =	simm.s32 $0x200;
	v11 =	vadd.f32 v11, v13;
	v7 =	vld [tilespmem:s20+$0x160]  }
.LBB2_4:
0x3f: {  	s22 =	sshra.s32 s21, $0x2;
	p0 =	sne.s32 s21, $0xFE00;
	[tilespmem:s20+$0x100] =	vst v12;
	v5 =	vadd.f32 v5, v10;
	v10 =	vld [tilespmem:s20+$0x170]  }
0x40: {  	v12 =	vld [tilespmem:s22+$0x4100];
	[tilespmem:s20+$0x110] =	vst v11;
	v4 =	vadd.f32 v4, v9  }
0x41: {  	v11 =	vld [tilespmem:s22+$0x4110];
	[tilespmem:s20+$0x120] =	vst v5;
	v3 =	vadd.f32 v3, v8  }
0x42: {  	v5 =	vld [tilespmem:s22+$0x4120];
	[tilespmem:s20+$0x130] =	vst v4;
	v2 =	vadd.f32 v2, v6  }
0x43: {  	v4 =	vld [tilespmem:s22+$0x4130];
	[tilespmem:s20+$0x140] =	vst v3;
	v1 =	vadd.f32 v1, v7  }
0x44: {  	v3 =	vld [tilespmem:s22+$0x4140];
	[tilespmem:s20+$0x150] =	vst v2;
	v0 =	vadd.f32 v0, v10  }
0x45: {  	v2 =	vld [tilespmem:s22+$0x4150];
	[tilespmem:s20+$0x160] =	vst v1  }
0x46: {  	v1 =	vld [tilespmem:s22+$0x4160];
	[tilespmem:s20+$0x170] =	vst v0;
	s20 =	smov.u32 s22  }
0x47: {  	v0 =	vld [tilespmem:s20+$0x4170]  }
0x48: {  	v6 =	vld [tilespmem:s20+$0x100]  }
0x49: {  	v7 =	vld [tilespmem:s20+$0x110]  }
.Ltmp5:
0x4a: {  	v10 =	vld [tilespmem:s20+$0x120];
	(pc) =	sbr.rel @p0 .LBB2_4-.Ltmp5, $4  }
0x4b: {  	v9 =	vld [tilespmem:s20+$0x130]  }
0x4c: {  	v8 =	vld [tilespmem:s20+$0x140]  }
0x4d: {  	v12 =	vadd.f32 v12, v6;
	v6 =	vld [tilespmem:s20+$0x150]  }
0x4e: {  	s21 =	sadd.s32 $0x200, s21;
	v11 =	vadd.f32 v11, v7;
	v7 =	vld [tilespmem:s20+$0x160]  }
0x4f: {  	[tilespmem:s20+$0x100] =	vst v12;
	v5 =	vadd.f32 v5, v10;
	v63 =	vld [tilespmem:s20+$0x170]  }
0x50: {  	[tilespmem:s20+$0x110] =	vst v11;
	v4 =	vadd.f32 v4, v9  }
0x51: {  	[tilespmem:s20+$0x120] =	vst v5;
	v3 =	vadd.f32 v3, v8  }
0x52: {  	[tilespmem:s20+$0x130] =	vst v4;
	v2 =	vadd.f32 v2, v6  }
0x53: {  	[tilespmem:s20+$0x140] =	vst v3;
	v1 =	vadd.f32 v1, v7  }
0x54: {  	[tilespmem:s20+$0x150] =	vst v2;
	v0 =	vadd.f32 v0, v63  }
0x55: {  	s19 =	sshll.u32 s19, $0xB;
	[tilespmem:s20+$0x160] =	vst v1  }
.Ltmp6:
0x56: {  	s19 =	sadd.s32 s8, s19;
	[tilespmem:s20+$0x170] =	vst v0;
	(pc) =	sbr.rel .LBB2_6-.Ltmp6, $4  }
0x57: {  	[hbm4b:s19+s4] =	stream.linear.scatter [tilespmem:s13], [sflag:$0x2], $0x4000, $0x38;
	[tilespmem:$0x8100] =	vst v63  }
0x58: {  	_ =	swait.ge [sflag:s16], $0x4000  }
0x59: {  	[sflag:s16] =	ssyncset.done $0x0  }
0x5a: {  	[sflag:s16] =	ssyncadd.s32 $0xFFFFC000  }
.LBB2_8:
0x5b: {  	_ =	sfence.sel $0x180000  }
0x5c: {  	[bflag:$0x0] =	sbarrier.arrive $0xFFFF  }
0x5d: {  	p0 =	sne.s32 s6, $0x0;
	_ =	strace $0x90000047  }
0x5e: {  	s0 =	sadd.s32 @!p0 $0x100000, s0;
	[bflag:$0x2] =	sbarrier.arrive $0xFFFF  }
0x5f: {  	[sflag:s0] =	ssyncadd.tile.s32 @!p0 $0x1;
	_ =	shalt  }
.Lfunc_end2:
_tile_overlayer_lowered:
.L_overlay_start_2:
0x60: {  	(tag) =	ssettag $0x2  }
0x61: {  	s0 =	rddreg [dreg:$0x0];
	s2 =	stileid.u32  }
0x62: {  	s1 =	rddreg [dreg:$0x1];
	p0 =	sne.s32 s2, $0x0  }
0x63: {  	s3 =	rddreg [dreg:$0x2];
	[bflag:$0x3] =	sbarrier.arrive $0xFFFF;
	s2 =	simm.s32 @!p0 $0x1C02  }
0x64: {  	[timem:s3], [sflag:s2] =	dma.local @!p0 [hbm:s0], s1  }
0x65: {  	s0 =	simm.s32 @!p0 $0x2  }
0x66: {  	_ =	swait.ge @!p0 [sflag:s0], s1  }
0x67: {  	s1 =	ssub.s32 @!p0 $0x0, s1;
	[sflag:s0] =	ssyncset.done @!p0 $0x0  }
0x68: {  	[sflag:s0] =	ssyncadd.s32 @!p0 s1  }
0x69: {  	[bflag:$0x3] =	sbarrier.arrive $0xFFFF  }
0x6a: {  	_ =	shalt  }

</sc_bundles>
